<compile_context>
chip_gen: v7x
topology: tpu7x:2x2x1
jax: 0.10.2.dev20260603
libtpu: 0.0.44.dev20260713+nightly
codegen_flags: <defaults>
</compile_context>

<pallas_src>
import functools

import jax
import jax.numpy as jnp
from jax import lax
from jax.experimental import pallas as pl
from jax.experimental.pallas import tpu as pltpu
from jax.experimental.pallas import tpu_sc as plsc

K_RETRIEVE = 8
REFINE_THRESHOLD = 0.6
REFINE_ALPHA = 0.7
NEG = -3.0e38
CHUNK = 2048


def _dot(a, b):
    return lax.dot(a.astype(jnp.bfloat16), b.astype(jnp.bfloat16),
                   preferred_element_type=jnp.float32)


def _topk_kernel(nsteps, kb_size, x_ref, w1_ref, b1_ref, w2_ref, b2_ref,
                 kbt_ref, ts_ref, ti_ref, qn_ref, vals_ref, idxs_ref):
    i = pl.program_id(0)
    bn = x_ref.shape[0]

    @pl.when(i == 0)
    def _init():
        x = x_ref[...]
        h = jnp.maximum(_dot(x, w1_ref[...]) + b1_ref[...], 0.0)
        q = _dot(h, w2_ref[...]) + b2_ref[...]
        qn = q / (jnp.sqrt(jnp.sum(q * q, axis=1, keepdims=True)) + 1e-8)
        qn_ref[...] = qn
        vals_ref[...] = jnp.full((bn, K_RETRIEVE), NEG, jnp.float32)
        idxs_ref[...] = jnp.zeros((bn, K_RETRIEVE), jnp.float32)

    kbt = kbt_ref[...]
    nsq = jnp.sum(kbt * kbt, axis=0, keepdims=True)
    kbn = kbt / (jnp.sqrt(nsq) + 1e-8)
    s = _dot(qn_ref[...], kbn)


    colf = (jax.lax.broadcasted_iota(jnp.int32, (1, CHUNK), 1).astype(jnp.float32)
            + (i * CHUNK).astype(jnp.float32))
    s = jnp.where(colf < float(kb_size), s, NEG)

    vals = vals_ref[...]
    idxs = idxs_ref[...]
    iota8 = jax.lax.broadcasted_iota(
        jnp.int32, (1, K_RETRIEVE), 1).astype(jnp.float32)
    for _ in range(K_RETRIEVE):
        m = jnp.max(s, axis=1, keepdims=True)
        eq = s == m
        cand = jnp.min(jnp.where(eq, colf, 3.0e38), axis=1, keepdims=True)
        s = jnp.where(colf == cand, NEG, s)
        curmin = jnp.min(vals, axis=1, keepdims=True)
        slot = jnp.min(jnp.where(vals == curmin, iota8, 9.0), axis=1,
                       keepdims=True)
        repl = (iota8 == slot) & (m > curmin)
        vals = jnp.where(repl, m, vals)
        idxs = jnp.where(repl, cand, idxs)
    vals_ref[...] = vals
    idxs_ref[...] = idxs

    @pl.when(i == nsteps - 1)
    def _out():
        ts_ref[...] = vals
        ti_ref[...] = idxs


def _refine_kernel(a_ref, ts_ref, rows_ref, out_ref):
    ts = ts_ref[0]
    rows = rows_ref[0]
    a = a_ref[0]

    m = jnp.max(ts, axis=1, keepdims=True)
    e = jnp.exp(ts - m)
    w = e / jnp.sum(e, axis=1, keepdims=True)

    rn = rows / (jnp.sqrt(jnp.sum(rows * rows, axis=2, keepdims=True)) + 1e-8)
    node = jnp.sum(w[:, :, None] * rn, axis=1)
    kgn = node / (jnp.sqrt(jnp.sum(node * node, axis=1, keepdims=True)) + 1e-8)
    akg = lax.dot_general(kgn, kgn, (((1,), (1,)), ((), ())))
    out_ref[0] = (REFINE_ALPHA * a
                  + (1.0 - REFINE_ALPHA) * jnp.where(akg > REFINE_THRESHOLD,
                                                     akg, 0.0))


def _sc_gather(table, idx):
    n_idx = idx.shape[0]
    d = table.shape[1]
    info = plsc.get_sparse_core_info()
    nw = info.num_cores * info.num_subcores
    b_per_w = n_idx // nw
    mesh = plsc.VectorSubcoreMesh(core_axis_name="c", subcore_axis_name="s")

    @functools.partial(
        pl.kernel,
        mesh=mesh,
        out_type=jax.ShapeDtypeStruct((n_idx, d), jnp.float32),
        scratch_types=[
            pltpu.VMEM((b_per_w,), jnp.int32),
            pltpu.VMEM((b_per_w, d), jnp.float32),
            pltpu.SemaphoreType.DMA,
        ],
        compiler_params=pltpu.CompilerParams(use_tc_tiling_on_sc=False),
    )
    def gather_k(table_hbm, idx_hbm, out_hbm, idx_v, rows_v, sem):
        wid = lax.axis_index("s") * info.num_cores + lax.axis_index("c")
        base = wid * b_per_w
        pltpu.sync_copy(idx_hbm.at[pl.ds(base, b_per_w)], idx_v)
        pltpu.async_copy(table_hbm.at[idx_v], rows_v, sem).wait()
        pltpu.sync_copy(rows_v, out_hbm.at[pl.ds(base, b_per_w)])

    return gather_k(table, idx)


def kernel(A_t, X_t, W1, b1, W2, b2, kb):
    B, N, D_IN = X_t.shape
    D_H = W1.shape[1]
    D_P = W2.shape[1]
    KB = kb.shape[0]
    BN = B * N
    K = K_RETRIEVE

    nsteps = (KB + CHUNK - 1) // CHUNK
    pad = nsteps * CHUNK - KB

    X = X_t.reshape(BN, D_IN)
    kbt = jnp.pad(kb.T, ((0, 0), (0, pad)))

    ts, ti = pl.pallas_call(
        functools.partial(_topk_kernel, nsteps, KB),
        grid=(nsteps,),
        in_specs=[
            pl.BlockSpec((BN, D_IN), lambda i: (0, 0)),
            pl.BlockSpec((D_IN, D_H), lambda i: (0, 0)),
            pl.BlockSpec((1, D_H), lambda i: (0, 0)),
            pl.BlockSpec((D_H, D_P), lambda i: (0, 0)),
            pl.BlockSpec((1, D_P), lambda i: (0, 0)),
            pl.BlockSpec((D_P, CHUNK), lambda i: (0, i)),
        ],
        out_specs=[
            pl.BlockSpec((BN, K), lambda i: (0, 0)),
            pl.BlockSpec((BN, K), lambda i: (0, 0)),
        ],
        out_shape=[
            jax.ShapeDtypeStruct((BN, K), jnp.float32),
            jax.ShapeDtypeStruct((BN, K), jnp.float32),
        ],
        scratch_shapes=[
            pltpu.VMEM((BN, D_P), jnp.float32),
            pltpu.VMEM((BN, K), jnp.float32),
            pltpu.VMEM((BN, K), jnp.float32),
        ],
    )(X, W1, b1.reshape(1, D_H), W2, b2.reshape(1, D_P), kbt)

    idx = ti.astype(jnp.int32).reshape(BN * K)
    rows = _sc_gather(kb, idx)

    out = pl.pallas_call(
        _refine_kernel,
        grid=(B,),
        in_specs=[
            pl.BlockSpec((1, N, N), lambda b: (b, 0, 0)),
            pl.BlockSpec((1, N, K), lambda b: (b, 0, 0)),
            pl.BlockSpec((1, N, K, D_P), lambda b: (b, 0, 0, 0)),
        ],
        out_specs=pl.BlockSpec((1, N, N), lambda b: (b, 0, 0)),
        out_shape=jax.ShapeDtypeStruct((B, N, N), jnp.float32),
    )(A_t, ts.reshape(B, N, K), rows.reshape(B, N, K, D_P))

    return out

# --- scband reference (transcript-rebuilt; emitter-appended) ---
"""Pipeline reference for scband-eeg-ragnet-26388279067190 (READ-ONLY COPY).

The authoritative reference and input builder live on the scoring server;
editing this copy changes nothing except your own understanding.
"""

import jax, jax.numpy as jnp
import numpy as np

K_RETRIEVE = 8
REFINE_THRESHOLD = 0.6
REFINE_ALPHA = 0.7
B, N, D_IN, D_H, D_P, KB_SIZE = 8, 64, 128, 256, 64, 100000


def setup_inputs(seed: int = 0) -> dict:
    key = jax.random.key(seed)
    ks = jax.random.split(key, 6)
    A_t = jax.random.uniform(ks[0], (B, N, N), dtype=jnp.float32)
    A_t = 0.5 * (A_t + jnp.swapaxes(A_t, 1, 2))  # symmetric learned adjacency
    X_t = jax.random.normal(ks[1], (B, N, D_IN), dtype=jnp.float32)
    W1 = jax.random.normal(ks[2], (D_IN, D_H), dtype=jnp.float32) * (1.0 / np.sqrt(D_IN))
    b1 = jnp.zeros((D_H,), dtype=jnp.float32)
    W2 = jax.random.normal(ks[3], (D_H, D_P), dtype=jnp.float32) * (1.0 / np.sqrt(D_H))
    b2 = jnp.zeros((D_P,), dtype=jnp.float32)
    kb = jax.random.normal(ks[4], (KB_SIZE, D_P), dtype=jnp.float32)  # FAISS index embeddings
    return {"A_t": A_t, "X_t": X_t, "W1": W1, "b1": b1, "W2": W2, "b2": b2, "kb": kb}


def reference(A_t, X_t, W1, b1, W2, b2, kb):
    # 1) SemanticQuery: 2-layer MLP projecting EEG node features to semantic space
    h = jax.nn.relu(jnp.einsum('bni,ih->bnh', X_t, W1) + b1)
    Q = jnp.einsum('bnh,hp->bnp', h, W2) + b2  # (B, N, D_P)
    # 2) KnowledgeRetriever: cosine-similarity kNN over FAISS-style embedding index
    Qn = Q / (jnp.linalg.norm(Q, axis=-1, keepdims=True) + 1e-8)
    kbn = kb / (jnp.linalg.norm(kb, axis=-1, keepdims=True) + 1e-8)
    scores = jnp.einsum('bnp,kp->bnk', Qn, kbn)  # (B, N, KB_SIZE)
    top_s, top_i = jax.lax.top_k(scores, K_RETRIEVE)  # (B, N, k)
    retrieved = jnp.take(kbn, top_i, axis=0)  # gather: (B, N, k, D_P)
    # 3) GraphRefiner: knowledge-informed node embedding via score-weighted pooling
    w = jax.nn.softmax(top_s, axis=-1)
    node_kg = jnp.einsum('bnk,bnkp->bnp', w, retrieved)  # (B, N, D_P)
    kg_n = node_kg / (jnp.linalg.norm(node_kg, axis=-1, keepdims=True) + 1e-8)
    A_kg = jnp.einsum('bnp,bmp->bnm', kg_n, kg_n)  # knowledge adjacency (B, N, N)
    mask = (A_kg > REFINE_THRESHOLD).astype(A_kg.dtype)  # edge-confidence threshold
    A_refined = REFINE_ALPHA * A_t + (1.0 - REFINE_ALPHA) * (A_kg * mask)
    return A_refined

if __name__ == "__main__":
    import jax
    _d = setup_inputs()
    print(jax.jit(kernel)(*tuple(_d.values())))

</pallas_src>

<mosaic_0001>
#map = affine_map<(d0, d1) -> (0, 0)>
#map1 = affine_map<(d0, d1) -> (0)>
module attributes {stable_mosaic.version = 14 : i64} {
  func.func @gather_k(%arg0: i32, %arg1: i32, %arg2: memref<100000x64xf32, #tpu.memory_space<hbm>>, %arg3: memref<4096xi32, #tpu.memory_space<hbm>>, %arg4: memref<4096x64xf32, #tpu.memory_space<hbm>>, %arg5: memref<128xi32, #tpu.memory_space<vmem>>, %arg6: memref<128x64xf32, #tpu.memory_space<vmem>>, %arg7: memref<!tpu.dma_semaphore, #tpu.memory_space<semaphore_mem>>) attributes {dimension_semantics = [#tpu.dimension_semantics<core_parallel>, #tpu.dimension_semantics<subcore_parallel>], iteration_bounds = array<i64: 2, 16>, scalar_prefetch = 0 : i64, scratch_operands = 3 : i64, tpu.core_type = #tpu.core_type<sc_vector_subcore>, window_params = [{transform_indices = #map}, {transform_indices = #map1}, {transform_indices = #map}]} {
    %mul3A = arith.constant 2 : i32
    %mul3A_0 = arith.muli %arg1, %mul3A : i32
    %add3A = arith.addi %mul3A_0, %arg0 : i32
    %mul3A_1 = arith.constant 128 : i32
    %mul3A_2 = arith.muli %add3A, %mul3A_1 : i32
    "tpu.region"() ({
      %run_scoped3A = tpu.sem_alloc : memref<!tpu.dma_semaphore, #tpu.memory_space<semaphore_mem>>
      %dma_start3A_7 = tpu.memref_slice %arg3[%mul3A_2] : memref<4096xi32, #tpu.memory_space<hbm>> -> memref<128xi32, #tpu.memory_space<hbm>>
      %dma_start3A_8 = tpu.memref_slice %arg3[%mul3A_2] : memref<4096xi32, #tpu.memory_space<hbm>> -> memref<128xi32, #tpu.memory_space<hbm>>
      tpu.enqueue_dma source(%dma_start3A_8 : memref<128xi32, #tpu.memory_space<hbm>>) target(%arg5 : memref<128xi32, #tpu.memory_space<vmem>>) target_semaphore(%run_scoped3A : memref<!tpu.dma_semaphore, #tpu.memory_space<semaphore_mem>>)
      %dma_wait3A_9 = tpu.memref_slice %arg3[%mul3A_2] : memref<4096xi32, #tpu.memory_space<hbm>> -> memref<128xi32, #tpu.memory_space<hbm>>
      %dma_wait3A_10 = tpu.memref_slice %arg3[%mul3A_2] : memref<4096xi32, #tpu.memory_space<hbm>> -> memref<128xi32, #tpu.memory_space<hbm>>
      tpu.wait_dma2 semaphore(%run_scoped3A : memref<!tpu.dma_semaphore, #tpu.memory_space<semaphore_mem>>) src(%dma_wait3A_10 : memref<128xi32, #tpu.memory_space<hbm>>) dst(%arg5 : memref<128xi32, #tpu.memory_space<vmem>>)
      tpu.yield
    }) : () -> ()
    %dma_start3A = arith.constant 0 : i32
    %dma_start3A_3 = arith.constant 0 : i32
    %dma_start3A_4 = tpu.memref_slice %arg2[%dma_start3A, %dma_start3A_3] : memref<100000x64xf32, #tpu.memory_space<hbm>> -> memref<100000x64xf32, #tpu.memory_space<hbm>>
    tpu.enqueue_indirect_dma source(%dma_start3A_4 : memref<100000x64xf32, #tpu.memory_space<hbm>>) target(%arg6 : memref<128x64xf32, #tpu.memory_space<vmem>>) offsets(%arg5 : memref<128xi32, #tpu.memory_space<vmem>>) semaphore(%arg7 : memref<!tpu.dma_semaphore, #tpu.memory_space<semaphore_mem>>)
    %dma_wait3A = arith.constant 0 : i32
    %dma_wait3A_5 = arith.constant 0 : i32
    %dma_wait3A_6 = tpu.memref_slice %arg2[%dma_wait3A, %dma_wait3A_5] : memref<100000x64xf32, #tpu.memory_space<hbm>> -> memref<100000x64xf32, #tpu.memory_space<hbm>>
    tpu.wait_indirect_dma semaphore(%arg7 : memref<!tpu.dma_semaphore, #tpu.memory_space<semaphore_mem>>) src(%dma_wait3A_6 : memref<100000x64xf32, #tpu.memory_space<hbm>>) dst(%arg6 : memref<128x64xf32, #tpu.memory_space<vmem>>)
    "tpu.region"() ({
      %run_scoped3A = tpu.sem_alloc : memref<!tpu.dma_semaphore, #tpu.memory_space<semaphore_mem>>
      %dma_start3A_7 = arith.constant 0 : i32
      %dma_start3A_8 = tpu.memref_slice %arg4[%mul3A_2, %dma_start3A_7] : memref<4096x64xf32, #tpu.memory_space<hbm>> -> memref<128x64xf32, #tpu.memory_space<hbm>>
      %dma_start3A_9 = arith.constant 0 : i32
      %dma_start3A_10 = tpu.memref_slice %arg4[%mul3A_2, %dma_start3A_9] : memref<4096x64xf32, #tpu.memory_space<hbm>> -> memref<128x64xf32, #tpu.memory_space<hbm>>
      tpu.enqueue_dma source(%arg6 : memref<128x64xf32, #tpu.memory_space<vmem>>) target(%dma_start3A_10 : memref<128x64xf32, #tpu.memory_space<hbm>>) target_semaphore(%run_scoped3A : memref<!tpu.dma_semaphore, #tpu.memory_space<semaphore_mem>>)
      %dma_wait3A_11 = arith.constant 0 : i32
      %dma_wait3A_12 = tpu.memref_slice %arg4[%mul3A_2, %dma_wait3A_11] : memref<4096x64xf32, #tpu.memory_space<hbm>> -> memref<128x64xf32, #tpu.memory_space<hbm>>
      %dma_wait3A_13 = arith.constant 0 : i32
      %dma_wait3A_14 = tpu.memref_slice %arg4[%mul3A_2, %dma_wait3A_13] : memref<4096x64xf32, #tpu.memory_space<hbm>> -> memref<128x64xf32, #tpu.memory_space<hbm>>
      tpu.wait_dma2 semaphore(%run_scoped3A : memref<!tpu.dma_semaphore, #tpu.memory_space<semaphore_mem>>) src(%arg6 : memref<128x64xf32, #tpu.memory_space<vmem>>) dst(%dma_wait3A_14 : memref<128x64xf32, #tpu.memory_space<hbm>>)
      tpu.yield
    }) : () -> ()
    return
  }
}

module attributes {stable_mosaic.version = 14 : i64} {
  func.func @_topk_kernel(%arg0: i32, %arg1: memref<512x128xf32, #tpu.memory_space<vmem>>, %arg2: memref<128x256xf32, #tpu.memory_space<vmem>>, %arg3: memref<1x256xf32, #tpu.memory_space<vmem>>, %arg4: memref<256x64xf32, #tpu.memory_space<vmem>>, %arg5: memref<1x64xf32, #tpu.memory_space<vmem>>, %arg6: memref<64x2048xf32, #tpu.memory_space<vmem>>, %arg7: memref<512x8xf32, #tpu.memory_space<vmem>>, %arg8: memref<512x8xf32, #tpu.memory_space<vmem>>, %arg9: memref<512x64xf32, #tpu.memory_space<vmem>>, %arg10: memref<512x8xf32, #tpu.memory_space<vmem>>, %arg11: memref<512x8xf32, #tpu.memory_space<vmem>>) attributes {dimension_semantics = [#tpu.dimension_semantics<arbitrary>], iteration_bounds = array<i64: 49>, scalar_prefetch = 0 : i64, scratch_operands = 3 : i64, tpu.core_type = #tpu.core_type<tc>, window_params = [{pipeline_mode = #tpu.pipeline_mode<synchronous>, transform_indices = @transform_0, window_bounds = array<i64: 512, 128>}, {pipeline_mode = #tpu.pipeline_mode<synchronous>, transform_indices = @transform_1, window_bounds = array<i64: 128, 256>}, {pipeline_mode = #tpu.pipeline_mode<synchronous>, transform_indices = @transform_2, window_bounds = array<i64: 1, 256>}, {pipeline_mode = #tpu.pipeline_mode<synchronous>, transform_indices = @transform_3, window_bounds = array<i64: 256, 64>}, {pipeline_mode = #tpu.pipeline_mode<synchronous>, transform_indices = @transform_4, window_bounds = array<i64: 1, 64>}, {transform_indices = @transform_5, window_bounds = array<i64: 64, 2048>}, {pipeline_mode = #tpu.pipeline_mode<synchronous>, transform_indices = @transform_6, window_bounds = array<i64: 512, 8>}, {pipeline_mode = #tpu.pipeline_mode<synchronous>, transform_indices = @transform_7, window_bounds = array<i64: 512, 8>}]} {
    %eq3A = arith.constant 0 : i32
    %eq3A_0 = arith.cmpi eq, %arg0, %eq3A : i32
    %convert_element_type3A = arith.extui %eq3A_0 : i1 to i32
    %cond3A = arith.constant 0 : i32
    %cond3A_1 = arith.cmpi ne, %convert_element_type3A, %cond3A : i32
    scf.if %cond3A_1 {
      %get3A_385 = arith.constant 0 : index
      %get3A_386 = arith.constant 0 : index
      %get3A_387 = vector.load %arg1[%get3A_385, %get3A_386] : memref<512x128xf32, #tpu.memory_space<vmem>>, vector<512x128xf32>
      %get3A_388 = arith.constant 0 : index
      %get3A_389 = arith.constant 0 : index
      %get3A_390 = vector.load %arg2[%get3A_388, %get3A_389] : memref<128x256xf32, #tpu.memory_space<vmem>>, vector<128x256xf32>
      %convert_element_type3A_391 = arith.truncf %get3A_387 : vector<512x128xf32> to vector<512x128xbf16>
      %convert_element_type3A_392 = arith.truncf %get3A_390 : vector<128x256xf32> to vector<128x256xbf16>
      %dot_general3A_393 = arith.constant dense<0.000000e+00> : vector<512x256xf32>
      %dot_general3A_394 = tpu.matmul %convert_element_type3A_391, %convert_element_type3A_392, %dot_general3A_393 {dimension_numbers = #tpu.dot_dimension_numbers<[1], [0], [0], [1], [0, 0, 1, 1], [], []>, transpose_lhs_hint = false} : vector<512x128xbf16>, vector<128x256xbf16>, vector<512x256xf32> -> vector<512x256xf32>
      %get3A_395 = arith.constant 0 : index
      %get3A_396 = arith.constant 0 : index
      %get3A_397 = vector.load %arg3[%get3A_395, %get3A_396] : memref<1x256xf32, #tpu.memory_space<vmem>>, vector<1x256xf32>
      %add3A_398 = vector.broadcast %get3A_397 : vector<1x256xf32> to vector<512x256xf32>
      %add3A_399 = arith.addf %dot_general3A_394, %add3A_398 : vector<512x256xf32>
      %max3A = arith.constant 0.000000e+00 : f32
      %max3A_400 = vector.broadcast %max3A : f32 to vector<512x256xf32>
      %max3A_401 = arith.maximumf %add3A_399, %max3A_400 : vector<512x256xf32>
      %get3A_402 = arith.constant 0 : index
      %get3A_403 = arith.constant 0 : index
      %get3A_404 = vector.load %arg4[%get3A_402, %get3A_403] : memref<256x64xf32, #tpu.memory_space<vmem>>, vector<256x64xf32>
      %convert_element_type3A_405 = arith.truncf %max3A_401 : vector<512x256xf32> to vector<512x256xbf16>
      %convert_element_type3A_406 = arith.truncf %get3A_404 : vector<256x64xf32> to vector<256x64xbf16>
      %dot_general3A_407 = arith.constant dense<0.000000e+00> : vector<512x64xf32>
      %dot_general3A_408 = tpu.matmul %convert_element_type3A_405, %convert_element_type3A_406, %dot_general3A_407 {dimension_numbers = #tpu.dot_dimension_numbers<[1], [0], [0], [1], [0, 0, 1, 1], [], []>, transpose_lhs_hint = false} : vector<512x256xbf16>, vector<256x64xbf16>, vector<512x64xf32> -> vector<512x64xf32>
      %get3A_409 = arith.constant 0 : index
      %get3A_410 = arith.constant 0 : index
      %get3A_411 = vector.load %arg5[%get3A_409, %get3A_410] : memref<1x64xf32, #tpu.memory_space<vmem>>, vector<1x64xf32>
      %add3A_412 = vector.broadcast %get3A_411 : vector<1x64xf32> to vector<512x64xf32>
      %add3A_413 = arith.addf %dot_general3A_408, %add3A_412 : vector<512x64xf32>
      %mul3A_414 = arith.mulf %add3A_413, %add3A_413 : vector<512x64xf32>
      %reduce_sum3A_415 = arith.constant dense<0.000000e+00> : vector<512xf32>
      %reduce_sum3A_416 = vector.multi_reduction <add>, %mul3A_414, %reduce_sum3A_415 [1] : vector<512x64xf32> to vector<512xf32>
      %broadcast_in_dim3A_417 = vector.shape_cast %reduce_sum3A_416 : vector<512xf32> to vector<512x1xf32>
      %sqrt3A_418 = math.sqrt %broadcast_in_dim3A_417 : vector<512x1xf32>
      %add3A_419 = arith.constant 9.99999993E-9 : f32
      %add3A_420 = vector.broadcast %add3A_419 : f32 to vector<512x1xf32>
      %add3A_421 = arith.addf %sqrt3A_418, %add3A_420 : vector<512x1xf32>
      %div3A_422 = vector.broadcast %add3A_421 : vector<512x1xf32> to vector<512x64xf32>
      %div3A_423 = arith.divf %add3A_413, %div3A_422 : vector<512x64xf32>
      %swap3A_424 = arith.constant 0 : index
      %swap3A_425 = arith.constant 0 : index
      %swap3A_426 = vector.load %arg9[%swap3A_424, %swap3A_425] : memref<512x64xf32, #tpu.memory_space<vmem>>, vector<512x64xf32>
      tpu.vector_store %arg9[%swap3A_424, %swap3A_425], %div3A_423 {strides = array<i32>} : memref<512x64xf32, #tpu.memory_space<vmem>>, vector<512x64xf32>,
      %broadcast_in_dim3A_427 = arith.constant -3.000000e+38 : f32
      %broadcast_in_dim3A_428 = vector.broadcast %broadcast_in_dim3A_427 : f32 to vector<512x8xf32>
      %swap3A_429 = arith.constant 0 : index
      %swap3A_430 = arith.constant 0 : index
      %swap3A_431 = vector.load %arg10[%swap3A_429, %swap3A_430] : memref<512x8xf32, #tpu.memory_space<vmem>>, vector<512x8xf32>
      tpu.vector_store %arg10[%swap3A_429, %swap3A_430], %broadcast_in_dim3A_428 {strides = array<i32>} : memref<512x8xf32, #tpu.memory_space<vmem>>, vector<512x8xf32>,
      %broadcast_in_dim3A_432 = arith.constant 0.000000e+00 : f32
      %broadcast_in_dim3A_433 = vector.broadcast %broadcast_in_dim3A_432 : f32 to vector<512x8xf32>
      %swap3A_434 = arith.constant 0 : index
      %swap3A_435 = arith.constant 0 : index
      %swap3A_436 = vector.load %arg11[%swap3A_434, %swap3A_435] : memref<512x8xf32, #tpu.memory_space<vmem>>, vector<512x8xf32>
      tpu.vector_store %arg11[%swap3A_434, %swap3A_435], %broadcast_in_dim3A_433 {strides = array<i32>} : memref<512x8xf32, #tpu.memory_space<vmem>>, vector<512x8xf32>,
    } else {
    }
    %get3A = arith.constant 0 : index
    %get3A_2 = arith.constant 0 : index
    %get3A_3 = vector.load %arg6[%get3A, %get3A_2] : memref<64x2048xf32, #tpu.memory_space<vmem>>, vector<64x2048xf32>
    %mul3A = arith.mulf %get3A_3, %get3A_3 : vector<64x2048xf32>
    %reduce_sum3A = arith.constant dense<0.000000e+00> : vector<2048xf32>
    %reduce_sum3A_4 = vector.multi_reduction <add>, %mul3A, %reduce_sum3A [0] : vector<64x2048xf32> to vector<2048xf32>
    %broadcast_in_dim3A = vector.shape_cast %reduce_sum3A_4 : vector<2048xf32> to vector<1x2048xf32>
    %sqrt3A = math.sqrt %broadcast_in_dim3A : vector<1x2048xf32>
    %add3A = arith.constant 9.99999993E-9 : f32
    %add3A_5 = vector.broadcast %add3A : f32 to vector<1x2048xf32>
    %add3A_6 = arith.addf %sqrt3A, %add3A_5 : vector<1x2048xf32>
    %div3A = vector.broadcast %add3A_6 : vector<1x2048xf32> to vector<64x2048xf32>
    %div3A_7 = arith.divf %get3A_3, %div3A : vector<64x2048xf32>
    %get3A_8 = arith.constant 0 : index
    %get3A_9 = arith.constant 0 : index
    %get3A_10 = vector.load %arg9[%get3A_8, %get3A_9] : memref<512x64xf32, #tpu.memory_space<vmem>>, vector<512x64xf32>
    %convert_element_type3A_11 = arith.truncf %get3A_10 : vector<512x64xf32> to vector<512x64xbf16>
    %convert_element_type3A_12 = arith.truncf %div3A_7 : vector<64x2048xf32> to vector<64x2048xbf16>
    %dot_general3A = arith.constant dense<0.000000e+00> : vector<512x2048xf32>
    %dot_general3A_13 = tpu.matmul %convert_element_type3A_11, %convert_element_type3A_12, %dot_general3A {dimension_numbers = #tpu.dot_dimension_numbers<[1], [0], [0], [1], [0, 0, 1, 1], [], []>, transpose_lhs_hint = false} : vector<512x64xbf16>, vector<64x2048xbf16>, vector<512x2048xf32> -> vector<512x2048xf32>
    %iota3A = tpu.iota {dimensions = array<i32: 1>} : vector<1x2048xi32>
    %convert_element_type3A_14 = arith.sitofp %iota3A : vector<1x2048xi32> to vector<1x2048xf32>
    %mul3A_15 = arith.constant 2048 : i32
    %mul3A_16 = arith.muli %arg0, %mul3A_15 : i32
    %convert_element_type3A_17 = arith.sitofp %mul3A_16 : i32 to f32
    %add3A_18 = vector.broadcast %convert_element_type3A_17 : f32 to vector<1x2048xf32>
    %add3A_19 = arith.addf %convert_element_type3A_14, %add3A_18 : vector<1x2048xf32>
    %lt3A = arith.constant 1.000000e+05 : f32
    %lt3A_20 = vector.broadcast %lt3A : f32 to vector<1x2048xf32>
    %lt3A_21 = arith.cmpf olt, %add3A_19, %lt3A_20 : vector<1x2048xf32>
    %jit3A = arith.constant -3.000000e+38 : f32
    %broadcast_in_dim3A_22 = vector.shape_cast %lt3A_21 : vector<1x2048xi1> to vector<1x2048xi1>
    %broadcast_in_dim3A_23 = vector.broadcast %broadcast_in_dim3A_22 : vector<1x2048xi1> to vector<512x2048xi1>
    %broadcast_in_dim3A_24 = vector.broadcast %jit3A : f32 to vector<512x2048xf32>
    %select_n3A = arith.select %broadcast_in_dim3A_23, %dot_general3A_13, %broadcast_in_dim3A_24 : vector<512x2048xi1>, vector<512x2048xf32>
    %get3A_25 = arith.constant 0 : index
    %get3A_26 = arith.constant 0 : index
    %get3A_27 = vector.load %arg10[%get3A_25, %get3A_26] : memref<512x8xf32, #tpu.memory_space<vmem>>, vector<512x8xf32>
    %get3A_28 = arith.constant 0 : index
    %get3A_29 = arith.constant 0 : index
    %get3A_30 = vector.load %arg11[%get3A_28, %get3A_29] : memref<512x8xf32, #tpu.memory_space<vmem>>, vector<512x8xf32>
    %iota3A_31 = tpu.iota {dimensions = array<i32: 1>} : vector<1x8xi32>
    %convert_element_type3A_32 = arith.sitofp %iota3A_31 : vector<1x8xi32> to vector<1x8xf32>
    %reduce_max3A = arith.constant dense<0xFF800000> : vector<512xf32>
    %reduce_max3A_33 = vector.multi_reduction <maximumf>, %select_n3A, %reduce_max3A [1] : vector<512x2048xf32> to vector<512xf32>
    %broadcast_in_dim3A_34 = vector.shape_cast %reduce_max3A_33 : vector<512xf32> to vector<512x1xf32>
    %eq3A_35 = vector.broadcast %broadcast_in_dim3A_34 : vector<512x1xf32> to vector<512x2048xf32>
    %eq3A_36 = arith.cmpf oeq, %select_n3A, %eq3A_35 : vector<512x2048xf32>
    %jit3A_37 = arith.constant 3.000000e+38 : f32
    %broadcast_in_dim3A_38 = vector.shape_cast %add3A_19 : vector<1x2048xf32> to vector<1x2048xf32>
    %broadcast_in_dim3A_39 = vector.broadcast %broadcast_in_dim3A_38 : vector<1x2048xf32> to vector<512x2048xf32>
    %broadcast_in_dim3A_40 = vector.broadcast %jit3A_37 : f32 to vector<512x2048xf32>
    %select_n3A_41 = arith.select %eq3A_36, %broadcast_in_dim3A_39, %broadcast_in_dim3A_40 : vector<512x2048xi1>, vector<512x2048xf32>
    %reduce_min3A = arith.constant dense<0x7F800000> : vector<512xf32>
    %reduce_min3A_42 = vector.multi_reduction <minimumf>, %select_n3A_41, %reduce_min3A [1] : vector<512x2048xf32> to vector<512xf32>
    %broadcast_in_dim3A_43 = vector.shape_cast %reduce_min3A_42 : vector<512xf32> to vector<512x1xf32>
    %eq3A_44 = vector.broadcast %add3A_19 : vector<1x2048xf32> to vector<512x2048xf32>
    %eq3A_45 = vector.broadcast %broadcast_in_dim3A_43 : vector<512x1xf32> to vector<512x2048xf32>
    %eq3A_46 = arith.cmpf oeq, %eq3A_44, %eq3A_45 : vector<512x2048xf32>
    %jit3A_47 = arith.constant -3.000000e+38 : f32
    %broadcast_in_dim3A_48 = vector.broadcast %jit3A_47 : f32 to vector<512x2048xf32>
    %select_n3A_49 = arith.select %eq3A_46, %broadcast_in_dim3A_48, %select_n3A : vector<512x2048xi1>, vector<512x2048xf32>
    %reduce_min3A_50 = arith.constant dense<0x7F800000> : vector<512xf32>
    %reduce_min3A_51 = vector.multi_reduction <minimumf>, %get3A_27, %reduce_min3A_50 [1] : vector<512x8xf32> to vector<512xf32>
    %broadcast_in_dim3A_52 = vector.shape_cast %reduce_min3A_51 : vector<512xf32> to vector<512x1xf32>
    %eq3A_53 = vector.broadcast %broadcast_in_dim3A_52 : vector<512x1xf32> to vector<512x8xf32>
    %eq3A_54 = arith.cmpf oeq, %get3A_27, %eq3A_53 : vector<512x8xf32>
    %jit3A_55 = arith.constant 9.000000e+00 : f32
    %broadcast_in_dim3A_56 = vector.shape_cast %convert_element_type3A_32 : vector<1x8xf32> to vector<1x8xf32>
    %broadcast_in_dim3A_57 = vector.broadcast %broadcast_in_dim3A_56 : vector<1x8xf32> to vector<512x8xf32>
    %broadcast_in_dim3A_58 = vector.broadcast %jit3A_55 : f32 to vector<512x8xf32>
    %select_n3A_59 = arith.select %eq3A_54, %broadcast_in_dim3A_57, %broadcast_in_dim3A_58 : vector<512x8xi1>, vector<512x8xf32>
    %reduce_min3A_60 = arith.constant dense<0x7F800000> : vector<512xf32>
    %reduce_min3A_61 = vector.multi_reduction <minimumf>, %select_n3A_59, %reduce_min3A_60 [1] : vector<512x8xf32> to vector<512xf32>
    %broadcast_in_dim3A_62 = vector.shape_cast %reduce_min3A_61 : vector<512xf32> to vector<512x1xf32>
    %eq3A_63 = vector.broadcast %convert_element_type3A_32 : vector<1x8xf32> to vector<512x8xf32>
    %eq3A_64 = vector.broadcast %broadcast_in_dim3A_62 : vector<512x1xf32> to vector<512x8xf32>
    %eq3A_65 = arith.cmpf oeq, %eq3A_63, %eq3A_64 : vector<512x8xf32>
    %gt3A = arith.cmpf ogt, %broadcast_in_dim3A_34, %broadcast_in_dim3A_52 : vector<512x1xf32>
    %and3A = vector.broadcast %gt3A : vector<512x1xi1> to vector<512x8xi1>
    %and3A_66 = arith.andi %eq3A_65, %and3A : vector<512x8xi1>
    %broadcast_in_dim3A_67 = vector.shape_cast %broadcast_in_dim3A_34 : vector<512x1xf32> to vector<512x1xf32>
    %broadcast_in_dim3A_68 = vector.broadcast %broadcast_in_dim3A_67 : vector<512x1xf32> to vector<512x8xf32>
    %select_n3A_69 = arith.select %and3A_66, %broadcast_in_dim3A_68, %get3A_27 : vector<512x8xi1>, vector<512x8xf32>
    %broadcast_in_dim3A_70 = vector.shape_cast %broadcast_in_dim3A_43 : vector<512x1xf32> to vector<512x1xf32>
    %broadcast_in_dim3A_71 = vector.broadcast %broadcast_in_dim3A_70 : vector<512x1xf32> to vector<512x8xf32>
    %select_n3A_72 = arith.select %and3A_66, %broadcast_in_dim3A_71, %get3A_30 : vector<512x8xi1>, vector<512x8xf32>
    %reduce_max3A_73 = arith.constant dense<0xFF800000> : vector<512xf32>
    %reduce_max3A_74 = vector.multi_reduction <maximumf>, %select_n3A_49, %reduce_max3A_73 [1] : vector<512x2048xf32> to vector<512xf32>
    %broadcast_in_dim3A_75 = vector.shape_cast %reduce_max3A_74 : vector<512xf32> to vector<512x1xf32>
    %eq3A_76 = vector.broadcast %broadcast_in_dim3A_75 : vector<512x1xf32> to vector<512x2048xf32>
    %eq3A_77 = arith.cmpf oeq, %select_n3A_49, %eq3A_76 : vector<512x2048xf32>
    %jit3A_78 = arith.constant 3.000000e+38 : f32
    %broadcast_in_dim3A_79 = vector.shape_cast %add3A_19 : vector<1x2048xf32> to vector<1x2048xf32>
    %broadcast_in_dim3A_80 = vector.broadcast %broadcast_in_dim3A_79 : vector<1x2048xf32> to vector<512x2048xf32>
    %broadcast_in_dim3A_81 = vector.broadcast %jit3A_78 : f32 to vector<512x2048xf32>
    %select_n3A_82 = arith.select %eq3A_77, %broadcast_in_dim3A_80, %broadcast_in_dim3A_81 : vector<512x2048xi1>, vector<512x2048xf32>
    %reduce_min3A_83 = arith.constant dense<0x7F800000> : vector<512xf32>
    %reduce_min3A_84 = vector.multi_reduction <minimumf>, %select_n3A_82, %reduce_min3A_83 [1] : vector<512x2048xf32> to vector<512xf32>
    %broadcast_in_dim3A_85 = vector.shape_cast %reduce_min3A_84 : vector<512xf32> to vector<512x1xf32>
    %eq3A_86 = vector.broadcast %add3A_19 : vector<1x2048xf32> to vector<512x2048xf32>
    %eq3A_87 = vector.broadcast %broadcast_in_dim3A_85 : vector<512x1xf32> to vector<512x2048xf32>
    %eq3A_88 = arith.cmpf oeq, %eq3A_86, %eq3A_87 : vector<512x2048xf32>
    %jit3A_89 = arith.constant -3.000000e+38 : f32
    %broadcast_in_dim3A_90 = vector.broadcast %jit3A_89 : f32 to vector<512x2048xf32>
    %select_n3A_91 = arith.select %eq3A_88, %broadcast_in_dim3A_90, %select_n3A_49 : vector<512x2048xi1>, vector<512x2048xf32>
    %reduce_min3A_92 = arith.constant dense<0x7F800000> : vector<512xf32>
    %reduce_min3A_93 = vector.multi_reduction <minimumf>, %select_n3A_69, %reduce_min3A_92 [1] : vector<512x8xf32> to vector<512xf32>
    %broadcast_in_dim3A_94 = vector.shape_cast %reduce_min3A_93 : vector<512xf32> to vector<512x1xf32>
    %eq3A_95 = vector.broadcast %broadcast_in_dim3A_94 : vector<512x1xf32> to vector<512x8xf32>
    %eq3A_96 = arith.cmpf oeq, %select_n3A_69, %eq3A_95 : vector<512x8xf32>
    %jit3A_97 = arith.constant 9.000000e+00 : f32
    %broadcast_in_dim3A_98 = vector.shape_cast %convert_element_type3A_32 : vector<1x8xf32> to vector<1x8xf32>
    %broadcast_in_dim3A_99 = vector.broadcast %broadcast_in_dim3A_98 : vector<1x8xf32> to vector<512x8xf32>
    %broadcast_in_dim3A_100 = vector.broadcast %jit3A_97 : f32 to vector<512x8xf32>
    %select_n3A_101 = arith.select %eq3A_96, %broadcast_in_dim3A_99, %broadcast_in_dim3A_100 : vector<512x8xi1>, vector<512x8xf32>
    %reduce_min3A_102 = arith.constant dense<0x7F800000> : vector<512xf32>
    %reduce_min3A_103 = vector.multi_reduction <minimumf>, %select_n3A_101, %reduce_min3A_102 [1] : vector<512x8xf32> to vector<512xf32>
    %broadcast_in_dim3A_104 = vector.shape_cast %reduce_min3A_103 : vector<512xf32> to vector<512x1xf32>
    %eq3A_105 = vector.broadcast %convert_element_type3A_32 : vector<1x8xf32> to vector<512x8xf32>
    %eq3A_106 = vector.broadcast %broadcast_in_dim3A_104 : vector<512x1xf32> to vector<512x8xf32>
    %eq3A_107 = arith.cmpf oeq, %eq3A_105, %eq3A_106 : vector<512x8xf32>
    %gt3A_108 = arith.cmpf ogt, %broadcast_in_dim3A_75, %broadcast_in_dim3A_94 : vector<512x1xf32>
    %and3A_109 = vector.broadcast %gt3A_108 : vector<512x1xi1> to vector<512x8xi1>
    %and3A_110 = arith.andi %eq3A_107, %and3A_109 : vector<512x8xi1>
    %broadcast_in_dim3A_111 = vector.shape_cast %broadcast_in_dim3A_75 : vector<512x1xf32> to vector<512x1xf32>
    %broadcast_in_dim3A_112 = vector.broadcast %broadcast_in_dim3A_111 : vector<512x1xf32> to vector<512x8xf32>
    %select_n3A_113 = arith.select %and3A_110, %broadcast_in_dim3A_112, %select_n3A_69 : vector<512x8xi1>, vector<512x8xf32>
    %broadcast_in_dim3A_114 = vector.shape_cast %broadcast_in_dim3A_85 : vector<512x1xf32> to vector<512x1xf32>
    %broadcast_in_dim3A_115 = vector.broadcast %broadcast_in_dim3A_114 : vector<512x1xf32> to vector<512x8xf32>
    %select_n3A_116 = arith.select %and3A_110, %broadcast_in_dim3A_115, %select_n3A_72 : vector<512x8xi1>, vector<512x8xf32>
    %reduce_max3A_117 = arith.constant dense<0xFF800000> : vector<512xf32>
    %reduce_max3A_118 = vector.multi_reduction <maximumf>, %select_n3A_91, %reduce_max3A_117 [1] : vector<512x2048xf32> to vector<512xf32>
    %broadcast_in_dim3A_119 = vector.shape_cast %reduce_max3A_118 : vector<512xf32> to vector<512x1xf32>
    %eq3A_120 = vector.broadcast %broadcast_in_dim3A_119 : vector<512x1xf32> to vector<512x2048xf32>
    %eq3A_121 = arith.cmpf oeq, %select_n3A_91, %eq3A_120 : vector<512x2048xf32>
    %jit3A_122 = arith.constant 3.000000e+38 : f32
    %broadcast_in_dim3A_123 = vector.shape_cast %add3A_19 : vector<1x2048xf32> to vector<1x2048xf32>
    %broadcast_in_dim3A_124 = vector.broadcast %broadcast_in_dim3A_123 : vector<1x2048xf32> to vector<512x2048xf32>
    %broadcast_in_dim3A_125 = vector.broadcast %jit3A_122 : f32 to vector<512x2048xf32>
    %select_n3A_126 = arith.select %eq3A_121, %broadcast_in_dim3A_124, %broadcast_in_dim3A_125 : vector<512x2048xi1>, vector<512x2048xf32>
    %reduce_min3A_127 = arith.constant dense<0x7F800000> : vector<512xf32>
    %reduce_min3A_128 = vector.multi_reduction <minimumf>, %select_n3A_126, %reduce_min3A_127 [1] : vector<512x2048xf32> to vector<512xf32>
    %broadcast_in_dim3A_129 = vector.shape_cast %reduce_min3A_128 : vector<512xf32> to vector<512x1xf32>
    %eq3A_130 = vector.broadcast %add3A_19 : vector<1x2048xf32> to vector<512x2048xf32>
    %eq3A_131 = vector.broadcast %broadcast_in_dim3A_129 : vector<512x1xf32> to vector<512x2048xf32>
    %eq3A_132 = arith.cmpf oeq, %eq3A_130, %eq3A_131 : vector<512x2048xf32>
    %jit3A_133 = arith.constant -3.000000e+38 : f32
    %broadcast_in_dim3A_134 = vector.broadcast %jit3A_133 : f32 to vector<512x2048xf32>
    %select_n3A_135 = arith.select %eq3A_132, %broadcast_in_dim3A_134, %select_n3A_91 : vector<512x2048xi1>, vector<512x2048xf32>
    %reduce_min3A_136 = arith.constant dense<0x7F800000> : vector<512xf32>
    %reduce_min3A_137 = vector.multi_reduction <minimumf>, %select_n3A_113, %reduce_min3A_136 [1] : vector<512x8xf32> to vector<512xf32>
    %broadcast_in_dim3A_138 = vector.shape_cast %reduce_min3A_137 : vector<512xf32> to vector<512x1xf32>
    %eq3A_139 = vector.broadcast %broadcast_in_dim3A_138 : vector<512x1xf32> to vector<512x8xf32>
    %eq3A_140 = arith.cmpf oeq, %select_n3A_113, %eq3A_139 : vector<512x8xf32>
    %jit3A_141 = arith.constant 9.000000e+00 : f32
    %broadcast_in_dim3A_142 = vector.shape_cast %convert_element_type3A_32 : vector<1x8xf32> to vector<1x8xf32>
    %broadcast_in_dim3A_143 = vector.broadcast %broadcast_in_dim3A_142 : vector<1x8xf32> to vector<512x8xf32>
    %broadcast_in_dim3A_144 = vector.broadcast %jit3A_141 : f32 to vector<512x8xf32>
    %select_n3A_145 = arith.select %eq3A_140, %broadcast_in_dim3A_143, %broadcast_in_dim3A_144 : vector<512x8xi1>, vector<512x8xf32>
    %reduce_min3A_146 = arith.constant dense<0x7F800000> : vector<512xf32>
    %reduce_min3A_147 = vector.multi_reduction <minimumf>, %select_n3A_145, %reduce_min3A_146 [1] : vector<512x8xf32> to vector<512xf32>
    %broadcast_in_dim3A_148 = vector.shape_cast %reduce_min3A_147 : vector<512xf32> to vector<512x1xf32>
    %eq3A_149 = vector.broadcast %convert_element_type3A_32 : vector<1x8xf32> to vector<512x8xf32>
    %eq3A_150 = vector.broadcast %broadcast_in_dim3A_148 : vector<512x1xf32> to vector<512x8xf32>
    %eq3A_151 = arith.cmpf oeq, %eq3A_149, %eq3A_150 : vector<512x8xf32>
    %gt3A_152 = arith.cmpf ogt, %broadcast_in_dim3A_119, %broadcast_in_dim3A_138 : vector<512x1xf32>
    %and3A_153 = vector.broadcast %gt3A_152 : vector<512x1xi1> to vector<512x8xi1>
    %and3A_154 = arith.andi %eq3A_151, %and3A_153 : vector<512x8xi1>
    %broadcast_in_dim3A_155 = vector.shape_cast %broadcast_in_dim3A_119 : vector<512x1xf32> to vector<512x1xf32>
    %broadcast_in_dim3A_156 = vector.broadcast %broadcast_in_dim3A_155 : vector<512x1xf32> to vector<512x8xf32>
    %select_n3A_157 = arith.select %and3A_154, %broadcast_in_dim3A_156, %select_n3A_113 : vector<512x8xi1>, vector<512x8xf32>
    %broadcast_in_dim3A_158 = vector.shape_cast %broadcast_in_dim3A_129 : vector<512x1xf32> to vector<512x1xf32>
    %broadcast_in_dim3A_159 = vector.broadcast %broadcast_in_dim3A_158 : vector<512x1xf32> to vector<512x8xf32>
    %select_n3A_160 = arith.select %and3A_154, %broadcast_in_dim3A_159, %select_n3A_116 : vector<512x8xi1>, vector<512x8xf32>
    %reduce_max3A_161 = arith.constant dense<0xFF800000> : vector<512xf32>
    %reduce_max3A_162 = vector.multi_reduction <maximumf>, %select_n3A_135, %reduce_max3A_161 [1] : vector<512x2048xf32> to vector<512xf32>
    %broadcast_in_dim3A_163 = vector.shape_cast %reduce_max3A_162 : vector<512xf32> to vector<512x1xf32>
    %eq3A_164 = vector.broadcast %broadcast_in_dim3A_163 : vector<512x1xf32> to vector<512x2048xf32>
    %eq3A_165 = arith.cmpf oeq, %select_n3A_135, %eq3A_164 : vector<512x2048xf32>
    %jit3A_166 = arith.constant 3.000000e+38 : f32
    %broadcast_in_dim3A_167 = vector.shape_cast %add3A_19 : vector<1x2048xf32> to vector<1x2048xf32>
    %broadcast_in_dim3A_168 = vector.broadcast %broadcast_in_dim3A_167 : vector<1x2048xf32> to vector<512x2048xf32>
    %broadcast_in_dim3A_169 = vector.broadcast %jit3A_166 : f32 to vector<512x2048xf32>
    %select_n3A_170 = arith.select %eq3A_165, %broadcast_in_dim3A_168, %broadcast_in_dim3A_169 : vector<512x2048xi1>, vector<512x2048xf32>
    %reduce_min3A_171 = arith.constant dense<0x7F800000> : vector<512xf32>
    %reduce_min3A_172 = vector.multi_reduction <minimumf>, %select_n3A_170, %reduce_min3A_171 [1] : vector<512x2048xf32> to vector<512xf32>
    %broadcast_in_dim3A_173 = vector.shape_cast %reduce_min3A_172 : vector<512xf32> to vector<512x1xf32>
    %eq3A_174 = vector.broadcast %add3A_19 : vector<1x2048xf32> to vector<512x2048xf32>
    %eq3A_175 = vector.broadcast %broadcast_in_dim3A_173 : vector<512x1xf32> to vector<512x2048xf32>
    %eq3A_176 = arith.cmpf oeq, %eq3A_174, %eq3A_175 : vector<512x2048xf32>
    %jit3A_177 = arith.constant -3.000000e+38 : f32
    %broadcast_in_dim3A_178 = vector.broadcast %jit3A_177 : f32 to vector<512x2048xf32>
    %select_n3A_179 = arith.select %eq3A_176, %broadcast_in_dim3A_178, %select_n3A_135 : vector<512x2048xi1>, vector<512x2048xf32>
    %reduce_min3A_180 = arith.constant dense<0x7F800000> : vector<512xf32>
    %reduce_min3A_181 = vector.multi_reduction <minimumf>, %select_n3A_157, %reduce_min3A_180 [1] : vector<512x8xf32> to vector<512xf32>
    %broadcast_in_dim3A_182 = vector.shape_cast %reduce_min3A_181 : vector<512xf32> to vector<512x1xf32>
    %eq3A_183 = vector.broadcast %broadcast_in_dim3A_182 : vector<512x1xf32> to vector<512x8xf32>
    %eq3A_184 = arith.cmpf oeq, %select_n3A_157, %eq3A_183 : vector<512x8xf32>
    %jit3A_185 = arith.constant 9.000000e+00 : f32
    %broadcast_in_dim3A_186 = vector.shape_cast %convert_element_type3A_32 : vector<1x8xf32> to vector<1x8xf32>
    %broadcast_in_dim3A_187 = vector.broadcast %broadcast_in_dim3A_186 : vector<1x8xf32> to vector<512x8xf32>
    %broadcast_in_dim3A_188 = vector.broadcast %jit3A_185 : f32 to vector<512x8xf32>
    %select_n3A_189 = arith.select %eq3A_184, %broadcast_in_dim3A_187, %broadcast_in_dim3A_188 : vector<512x8xi1>, vector<512x8xf32>
    %reduce_min3A_190 = arith.constant dense<0x7F800000> : vector<512xf32>
    %reduce_min3A_191 = vector.multi_reduction <minimumf>, %select_n3A_189, %reduce_min3A_190 [1] : vector<512x8xf32> to vector<512xf32>
    %broadcast_in_dim3A_192 = vector.shape_cast %reduce_min3A_191 : vector<512xf32> to vector<512x1xf32>
    %eq3A_193 = vector.broadcast %convert_element_type3A_32 : vector<1x8xf32> to vector<512x8xf32>
    %eq3A_194 = vector.broadcast %broadcast_in_dim3A_192 : vector<512x1xf32> to vector<512x8xf32>
    %eq3A_195 = arith.cmpf oeq, %eq3A_193, %eq3A_194 : vector<512x8xf32>
    %gt3A_196 = arith.cmpf ogt, %broadcast_in_dim3A_163, %broadcast_in_dim3A_182 : vector<512x1xf32>
    %and3A_197 = vector.broadcast %gt3A_196 : vector<512x1xi1> to vector<512x8xi1>
    %and3A_198 = arith.andi %eq3A_195, %and3A_197 : vector<512x8xi1>
    %broadcast_in_dim3A_199 = vector.shape_cast %broadcast_in_dim3A_163 : vector<512x1xf32> to vector<512x1xf32>
    %broadcast_in_dim3A_200 = vector.broadcast %broadcast_in_dim3A_199 : vector<512x1xf32> to vector<512x8xf32>
    %select_n3A_201 = arith.select %and3A_198, %broadcast_in_dim3A_200, %select_n3A_157 : vector<512x8xi1>, vector<512x8xf32>
    %broadcast_in_dim3A_202 = vector.shape_cast %broadcast_in_dim3A_173 : vector<512x1xf32> to vector<512x1xf32>
    %broadcast_in_dim3A_203 = vector.broadcast %broadcast_in_dim3A_202 : vector<512x1xf32> to vector<512x8xf32>
    %select_n3A_204 = arith.select %and3A_198, %broadcast_in_dim3A_203, %select_n3A_160 : vector<512x8xi1>, vector<512x8xf32>
    %reduce_max3A_205 = arith.constant dense<0xFF800000> : vector<512xf32>
    %reduce_max3A_206 = vector.multi_reduction <maximumf>, %select_n3A_179, %reduce_max3A_205 [1] : vector<512x2048xf32> to vector<512xf32>
    %broadcast_in_dim3A_207 = vector.shape_cast %reduce_max3A_206 : vector<512xf32> to vector<512x1xf32>
    %eq3A_208 = vector.broadcast %broadcast_in_dim3A_207 : vector<512x1xf32> to vector<512x2048xf32>
    %eq3A_209 = arith.cmpf oeq, %select_n3A_179, %eq3A_208 : vector<512x2048xf32>
    %jit3A_210 = arith.constant 3.000000e+38 : f32
    %broadcast_in_dim3A_211 = vector.shape_cast %add3A_19 : vector<1x2048xf32> to vector<1x2048xf32>
    %broadcast_in_dim3A_212 = vector.broadcast %broadcast_in_dim3A_211 : vector<1x2048xf32> to vector<512x2048xf32>
    %broadcast_in_dim3A_213 = vector.broadcast %jit3A_210 : f32 to vector<512x2048xf32>
    %select_n3A_214 = arith.select %eq3A_209, %broadcast_in_dim3A_212, %broadcast_in_dim3A_213 : vector<512x2048xi1>, vector<512x2048xf32>
    %reduce_min3A_215 = arith.constant dense<0x7F800000> : vector<512xf32>
    %reduce_min3A_216 = vector.multi_reduction <minimumf>, %select_n3A_214, %reduce_min3A_215 [1] : vector<512x2048xf32> to vector<512xf32>
    %broadcast_in_dim3A_217 = vector.shape_cast %reduce_min3A_216 : vector<512xf32> to vector<512x1xf32>
    %eq3A_218 = vector.broadcast %add3A_19 : vector<1x2048xf32> to vector<512x2048xf32>
    %eq3A_219 = vector.broadcast %broadcast_in_dim3A_217 : vector<512x1xf32> to vector<512x2048xf32>
    %eq3A_220 = arith.cmpf oeq, %eq3A_218, %eq3A_219 : vector<512x2048xf32>
    %jit3A_221 = arith.constant -3.000000e+38 : f32
    %broadcast_in_dim3A_222 = vector.broadcast %jit3A_221 : f32 to vector<512x2048xf32>
    %select_n3A_223 = arith.select %eq3A_220, %broadcast_in_dim3A_222, %select_n3A_179 : vector<512x2048xi1>, vector<512x2048xf32>
    %reduce_min3A_224 = arith.constant dense<0x7F800000> : vector<512xf32>
    %reduce_min3A_225 = vector.multi_reduction <minimumf>, %select_n3A_201, %reduce_min3A_224 [1] : vector<512x8xf32> to vector<512xf32>
    %broadcast_in_dim3A_226 = vector.shape_cast %reduce_min3A_225 : vector<512xf32> to vector<512x1xf32>
    %eq3A_227 = vector.broadcast %broadcast_in_dim3A_226 : vector<512x1xf32> to vector<512x8xf32>
    %eq3A_228 = arith.cmpf oeq, %select_n3A_201, %eq3A_227 : vector<512x8xf32>
    %jit3A_229 = arith.constant 9.000000e+00 : f32
    %broadcast_in_dim3A_230 = vector.shape_cast %convert_element_type3A_32 : vector<1x8xf32> to vector<1x8xf32>
    %broadcast_in_dim3A_231 = vector.broadcast %broadcast_in_dim3A_230 : vector<1x8xf32> to vector<512x8xf32>
    %broadcast_in_dim3A_232 = vector.broadcast %jit3A_229 : f32 to vector<512x8xf32>
    %select_n3A_233 = arith.select %eq3A_228, %broadcast_in_dim3A_231, %broadcast_in_dim3A_232 : vector<512x8xi1>, vector<512x8xf32>
    %reduce_min3A_234 = arith.constant dense<0x7F800000> : vector<512xf32>
    %reduce_min3A_235 = vector.multi_reduction <minimumf>, %select_n3A_233, %reduce_min3A_234 [1] : vector<512x8xf32> to vector<512xf32>
    %broadcast_in_dim3A_236 = vector.shape_cast %reduce_min3A_235 : vector<512xf32> to vector<512x1xf32>
    %eq3A_237 = vector.broadcast %convert_element_type3A_32 : vector<1x8xf32> to vector<512x8xf32>
    %eq3A_238 = vector.broadcast %broadcast_in_dim3A_236 : vector<512x1xf32> to vector<512x8xf32>
    %eq3A_239 = arith.cmpf oeq, %eq3A_237, %eq3A_238 : vector<512x8xf32>
    %gt3A_240 = arith.cmpf ogt, %broadcast_in_dim3A_207, %broadcast_in_dim3A_226 : vector<512x1xf32>
    %and3A_241 = vector.broadcast %gt3A_240 : vector<512x1xi1> to vector<512x8xi1>
    %and3A_242 = arith.andi %eq3A_239, %and3A_241 : vector<512x8xi1>
    %broadcast_in_dim3A_243 = vector.shape_cast %broadcast_in_dim3A_207 : vector<512x1xf32> to vector<512x1xf32>
    %broadcast_in_dim3A_244 = vector.broadcast %broadcast_in_dim3A_243 : vector<512x1xf32> to vector<512x8xf32>
    %select_n3A_245 = arith.select %and3A_242, %broadcast_in_dim3A_244, %select_n3A_201 : vector<512x8xi1>, vector<512x8xf32>
    %broadcast_in_dim3A_246 = vector.shape_cast %broadcast_in_dim3A_217 : vector<512x1xf32> to vector<512x1xf32>
    %broadcast_in_dim3A_247 = vector.broadcast %broadcast_in_dim3A_246 : vector<512x1xf32> to vector<512x8xf32>
    %select_n3A_248 = arith.select %and3A_242, %broadcast_in_dim3A_247, %select_n3A_204 : vector<512x8xi1>, vector<512x8xf32>
    %reduce_max3A_249 = arith.constant dense<0xFF800000> : vector<512xf32>
    %reduce_max3A_250 = vector.multi_reduction <maximumf>, %select_n3A_223, %reduce_max3A_249 [1] : vector<512x2048xf32> to vector<512xf32>
    %broadcast_in_dim3A_251 = vector.shape_cast %reduce_max3A_250 : vector<512xf32> to vector<512x1xf32>
    %eq3A_252 = vector.broadcast %broadcast_in_dim3A_251 : vector<512x1xf32> to vector<512x2048xf32>
    %eq3A_253 = arith.cmpf oeq, %select_n3A_223, %eq3A_252 : vector<512x2048xf32>
    %jit3A_254 = arith.constant 3.000000e+38 : f32
    %broadcast_in_dim3A_255 = vector.shape_cast %add3A_19 : vector<1x2048xf32> to vector<1x2048xf32>
    %broadcast_in_dim3A_256 = vector.broadcast %broadcast_in_dim3A_255 : vector<1x2048xf32> to vector<512x2048xf32>
    %broadcast_in_dim3A_257 = vector.broadcast %jit3A_254 : f32 to vector<512x2048xf32>
    %select_n3A_258 = arith.select %eq3A_253, %broadcast_in_dim3A_256, %broadcast_in_dim3A_257 : vector<512x2048xi1>, vector<512x2048xf32>
    %reduce_min3A_259 = arith.constant dense<0x7F800000> : vector<512xf32>
    %reduce_min3A_260 = vector.multi_reduction <minimumf>, %select_n3A_258, %reduce_min3A_259 [1] : vector<512x2048xf32> to vector<512xf32>
    %broadcast_in_dim3A_261 = vector.shape_cast %reduce_min3A_260 : vector<512xf32> to vector<512x1xf32>
    %eq3A_262 = vector.broadcast %add3A_19 : vector<1x2048xf32> to vector<512x2048xf32>
    %eq3A_263 = vector.broadcast %broadcast_in_dim3A_261 : vector<512x1xf32> to vector<512x2048xf32>
    %eq3A_264 = arith.cmpf oeq, %eq3A_262, %eq3A_263 : vector<512x2048xf32>
    %jit3A_265 = arith.constant -3.000000e+38 : f32
    %broadcast_in_dim3A_266 = vector.broadcast %jit3A_265 : f32 to vector<512x2048xf32>
    %select_n3A_267 = arith.select %eq3A_264, %broadcast_in_dim3A_266, %select_n3A_223 : vector<512x2048xi1>, vector<512x2048xf32>
    %reduce_min3A_268 = arith.constant dense<0x7F800000> : vector<512xf32>
    %reduce_min3A_269 = vector.multi_reduction <minimumf>, %select_n3A_245, %reduce_min3A_268 [1] : vector<512x8xf32> to vector<512xf32>
    %broadcast_in_dim3A_270 = vector.shape_cast %reduce_min3A_269 : vector<512xf32> to vector<512x1xf32>
    %eq3A_271 = vector.broadcast %broadcast_in_dim3A_270 : vector<512x1xf32> to vector<512x8xf32>
    %eq3A_272 = arith.cmpf oeq, %select_n3A_245, %eq3A_271 : vector<512x8xf32>
    %jit3A_273 = arith.constant 9.000000e+00 : f32
    %broadcast_in_dim3A_274 = vector.shape_cast %convert_element_type3A_32 : vector<1x8xf32> to vector<1x8xf32>
    %broadcast_in_dim3A_275 = vector.broadcast %broadcast_in_dim3A_274 : vector<1x8xf32> to vector<512x8xf32>
    %broadcast_in_dim3A_276 = vector.broadcast %jit3A_273 : f32 to vector<512x8xf32>
    %select_n3A_277 = arith.select %eq3A_272, %broadcast_in_dim3A_275, %broadcast_in_dim3A_276 : vector<512x8xi1>, vector<512x8xf32>
    %reduce_min3A_278 = arith.constant dense<0x7F800000> : vector<512xf32>
    %reduce_min3A_279 = vector.multi_reduction <minimumf>, %select_n3A_277, %reduce_min3A_278 [1] : vector<512x8xf32> to vector<512xf32>
    %broadcast_in_dim3A_280 = vector.shape_cast %reduce_min3A_279 : vector<512xf32> to vector<512x1xf32>
    %eq3A_281 = vector.broadcast %convert_element_type3A_32 : vector<1x8xf32> to vector<512x8xf32>
    %eq3A_282 = vector.broadcast %broadcast_in_dim3A_280 : vector<512x1xf32> to vector<512x8xf32>
    %eq3A_283 = arith.cmpf oeq, %eq3A_281, %eq3A_282 : vector<512x8xf32>
    %gt3A_284 = arith.cmpf ogt, %broadcast_in_dim3A_251, %broadcast_in_dim3A_270 : vector<512x1xf32>
    %and3A_285 = vector.broadcast %gt3A_284 : vector<512x1xi1> to vector<512x8xi1>
    %and3A_286 = arith.andi %eq3A_283, %and3A_285 : vector<512x8xi1>
    %broadcast_in_dim3A_287 = vector.shape_cast %broadcast_in_dim3A_251 : vector<512x1xf32> to vector<512x1xf32>
    %broadcast_in_dim3A_288 = vector.broadcast %broadcast_in_dim3A_287 : vector<512x1xf32> to vector<512x8xf32>
    %select_n3A_289 = arith.select %and3A_286, %broadcast_in_dim3A_288, %select_n3A_245 : vector<512x8xi1>, vector<512x8xf32>
    %broadcast_in_dim3A_290 = vector.shape_cast %broadcast_in_dim3A_261 : vector<512x1xf32> to vector<512x1xf32>
    %broadcast_in_dim3A_291 = vector.broadcast %broadcast_in_dim3A_290 : vector<512x1xf32> to vector<512x8xf32>
    %select_n3A_292 = arith.select %and3A_286, %broadcast_in_dim3A_291, %select_n3A_248 : vector<512x8xi1>, vector<512x8xf32>
    %reduce_max3A_293 = arith.constant dense<0xFF800000> : vector<512xf32>
    %reduce_max3A_294 = vector.multi_reduction <maximumf>, %select_n3A_267, %reduce_max3A_293 [1] : vector<512x2048xf32> to vector<512xf32>
    %broadcast_in_dim3A_295 = vector.shape_cast %reduce_max3A_294 : vector<512xf32> to vector<512x1xf32>
    %eq3A_296 = vector.broadcast %broadcast_in_dim3A_295 : vector<512x1xf32> to vector<512x2048xf32>
    %eq3A_297 = arith.cmpf oeq, %select_n3A_267, %eq3A_296 : vector<512x2048xf32>
    %jit3A_298 = arith.constant 3.000000e+38 : f32
    %broadcast_in_dim3A_299 = vector.shape_cast %add3A_19 : vector<1x2048xf32> to vector<1x2048xf32>
    %broadcast_in_dim3A_300 = vector.broadcast %broadcast_in_dim3A_299 : vector<1x2048xf32> to vector<512x2048xf32>
    %broadcast_in_dim3A_301 = vector.broadcast %jit3A_298 : f32 to vector<512x2048xf32>
    %select_n3A_302 = arith.select %eq3A_297, %broadcast_in_dim3A_300, %broadcast_in_dim3A_301 : vector<512x2048xi1>, vector<512x2048xf32>
    %reduce_min3A_303 = arith.constant dense<0x7F800000> : vector<512xf32>
    %reduce_min3A_304 = vector.multi_reduction <minimumf>, %select_n3A_302, %reduce_min3A_303 [1] : vector<512x2048xf32> to vector<512xf32>
    %broadcast_in_dim3A_305 = vector.shape_cast %reduce_min3A_304 : vector<512xf32> to vector<512x1xf32>
    %eq3A_306 = vector.broadcast %add3A_19 : vector<1x2048xf32> to vector<512x2048xf32>
    %eq3A_307 = vector.broadcast %broadcast_in_dim3A_305 : vector<512x1xf32> to vector<512x2048xf32>
    %eq3A_308 = arith.cmpf oeq, %eq3A_306, %eq3A_307 : vector<512x2048xf32>
    %jit3A_309 = arith.constant -3.000000e+38 : f32
    %broadcast_in_dim3A_310 = vector.broadcast %jit3A_309 : f32 to vector<512x2048xf32>
    %select_n3A_311 = arith.select %eq3A_308, %broadcast_in_dim3A_310, %select_n3A_267 : vector<512x2048xi1>, vector<512x2048xf32>
    %reduce_min3A_312 = arith.constant dense<0x7F800000> : vector<512xf32>
    %reduce_min3A_313 = vector.multi_reduction <minimumf>, %select_n3A_289, %reduce_min3A_312 [1] : vector<512x8xf32> to vector<512xf32>
    %broadcast_in_dim3A_314 = vector.shape_cast %reduce_min3A_313 : vector<512xf32> to vector<512x1xf32>
    %eq3A_315 = vector.broadcast %broadcast_in_dim3A_314 : vector<512x1xf32> to vector<512x8xf32>
    %eq3A_316 = arith.cmpf oeq, %select_n3A_289, %eq3A_315 : vector<512x8xf32>
    %jit3A_317 = arith.constant 9.000000e+00 : f32
    %broadcast_in_dim3A_318 = vector.shape_cast %convert_element_type3A_32 : vector<1x8xf32> to vector<1x8xf32>
    %broadcast_in_dim3A_319 = vector.broadcast %broadcast_in_dim3A_318 : vector<1x8xf32> to vector<512x8xf32>
    %broadcast_in_dim3A_320 = vector.broadcast %jit3A_317 : f32 to vector<512x8xf32>
    %select_n3A_321 = arith.select %eq3A_316, %broadcast_in_dim3A_319, %broadcast_in_dim3A_320 : vector<512x8xi1>, vector<512x8xf32>
    %reduce_min3A_322 = arith.constant dense<0x7F800000> : vector<512xf32>
    %reduce_min3A_323 = vector.multi_reduction <minimumf>, %select_n3A_321, %reduce_min3A_322 [1] : vector<512x8xf32> to vector<512xf32>
    %broadcast_in_dim3A_324 = vector.shape_cast %reduce_min3A_323 : vector<512xf32> to vector<512x1xf32>
    %eq3A_325 = vector.broadcast %convert_element_type3A_32 : vector<1x8xf32> to vector<512x8xf32>
    %eq3A_326 = vector.broadcast %broadcast_in_dim3A_324 : vector<512x1xf32> to vector<512x8xf32>
    %eq3A_327 = arith.cmpf oeq, %eq3A_325, %eq3A_326 : vector<512x8xf32>
    %gt3A_328 = arith.cmpf ogt, %broadcast_in_dim3A_295, %broadcast_in_dim3A_314 : vector<512x1xf32>
    %and3A_329 = vector.broadcast %gt3A_328 : vector<512x1xi1> to vector<512x8xi1>
    %and3A_330 = arith.andi %eq3A_327, %and3A_329 : vector<512x8xi1>
    %broadcast_in_dim3A_331 = vector.shape_cast %broadcast_in_dim3A_295 : vector<512x1xf32> to vector<512x1xf32>
    %broadcast_in_dim3A_332 = vector.broadcast %broadcast_in_dim3A_331 : vector<512x1xf32> to vector<512x8xf32>
    %select_n3A_333 = arith.select %and3A_330, %broadcast_in_dim3A_332, %select_n3A_289 : vector<512x8xi1>, vector<512x8xf32>
    %broadcast_in_dim3A_334 = vector.shape_cast %broadcast_in_dim3A_305 : vector<512x1xf32> to vector<512x1xf32>
    %broadcast_in_dim3A_335 = vector.broadcast %broadcast_in_dim3A_334 : vector<512x1xf32> to vector<512x8xf32>
    %select_n3A_336 = arith.select %and3A_330, %broadcast_in_dim3A_335, %select_n3A_292 : vector<512x8xi1>, vector<512x8xf32>
    %reduce_max3A_337 = arith.constant dense<0xFF800000> : vector<512xf32>
    %reduce_max3A_338 = vector.multi_reduction <maximumf>, %select_n3A_311, %reduce_max3A_337 [1] : vector<512x2048xf32> to vector<512xf32>
    %broadcast_in_dim3A_339 = vector.shape_cast %reduce_max3A_338 : vector<512xf32> to vector<512x1xf32>
    %eq3A_340 = vector.broadcast %broadcast_in_dim3A_339 : vector<512x1xf32> to vector<512x2048xf32>
    %eq3A_341 = arith.cmpf oeq, %select_n3A_311, %eq3A_340 : vector<512x2048xf32>
    %jit3A_342 = arith.constant 3.000000e+38 : f32
    %broadcast_in_dim3A_343 = vector.shape_cast %add3A_19 : vector<1x2048xf32> to vector<1x2048xf32>
    %broadcast_in_dim3A_344 = vector.broadcast %broadcast_in_dim3A_343 : vector<1x2048xf32> to vector<512x2048xf32>
    %broadcast_in_dim3A_345 = vector.broadcast %jit3A_342 : f32 to vector<512x2048xf32>
    %select_n3A_346 = arith.select %eq3A_341, %broadcast_in_dim3A_344, %broadcast_in_dim3A_345 : vector<512x2048xi1>, vector<512x2048xf32>
    %reduce_min3A_347 = arith.constant dense<0x7F800000> : vector<512xf32>
    %reduce_min3A_348 = vector.multi_reduction <minimumf>, %select_n3A_346, %reduce_min3A_347 [1] : vector<512x2048xf32> to vector<512xf32>
    %broadcast_in_dim3A_349 = vector.shape_cast %reduce_min3A_348 : vector<512xf32> to vector<512x1xf32>
    %reduce_min3A_350 = arith.constant dense<0x7F800000> : vector<512xf32>
    %reduce_min3A_351 = vector.multi_reduction <minimumf>, %select_n3A_333, %reduce_min3A_350 [1] : vector<512x8xf32> to vector<512xf32>
    %broadcast_in_dim3A_352 = vector.shape_cast %reduce_min3A_351 : vector<512xf32> to vector<512x1xf32>
    %eq3A_353 = vector.broadcast %broadcast_in_dim3A_352 : vector<512x1xf32> to vector<512x8xf32>
    %eq3A_354 = arith.cmpf oeq, %select_n3A_333, %eq3A_353 : vector<512x8xf32>
    %jit3A_355 = arith.constant 9.000000e+00 : f32
    %broadcast_in_dim3A_356 = vector.shape_cast %convert_element_type3A_32 : vector<1x8xf32> to vector<1x8xf32>
    %broadcast_in_dim3A_357 = vector.broadcast %broadcast_in_dim3A_356 : vector<1x8xf32> to vector<512x8xf32>
    %broadcast_in_dim3A_358 = vector.broadcast %jit3A_355 : f32 to vector<512x8xf32>
    %select_n3A_359 = arith.select %eq3A_354, %broadcast_in_dim3A_357, %broadcast_in_dim3A_358 : vector<512x8xi1>, vector<512x8xf32>
    %reduce_min3A_360 = arith.constant dense<0x7F800000> : vector<512xf32>
    %reduce_min3A_361 = vector.multi_reduction <minimumf>, %select_n3A_359, %reduce_min3A_360 [1] : vector<512x8xf32> to vector<512xf32>
    %broadcast_in_dim3A_362 = vector.shape_cast %reduce_min3A_361 : vector<512xf32> to vector<512x1xf32>
    %eq3A_363 = vector.broadcast %convert_element_type3A_32 : vector<1x8xf32> to vector<512x8xf32>
    %eq3A_364 = vector.broadcast %broadcast_in_dim3A_362 : vector<512x1xf32> to vector<512x8xf32>
    %eq3A_365 = arith.cmpf oeq, %eq3A_363, %eq3A_364 : vector<512x8xf32>
    %gt3A_366 = arith.cmpf ogt, %broadcast_in_dim3A_339, %broadcast_in_dim3A_352 : vector<512x1xf32>
    %and3A_367 = vector.broadcast %gt3A_366 : vector<512x1xi1> to vector<512x8xi1>
    %and3A_368 = arith.andi %eq3A_365, %and3A_367 : vector<512x8xi1>
    %broadcast_in_dim3A_369 = vector.shape_cast %broadcast_in_dim3A_339 : vector<512x1xf32> to vector<512x1xf32>
    %broadcast_in_dim3A_370 = vector.broadcast %broadcast_in_dim3A_369 : vector<512x1xf32> to vector<512x8xf32>
    %select_n3A_371 = arith.select %and3A_368, %broadcast_in_dim3A_370, %select_n3A_333 : vector<512x8xi1>, vector<512x8xf32>
    %broadcast_in_dim3A_372 = vector.shape_cast %broadcast_in_dim3A_349 : vector<512x1xf32> to vector<512x1xf32>
    %broadcast_in_dim3A_373 = vector.broadcast %broadcast_in_dim3A_372 : vector<512x1xf32> to vector<512x8xf32>
    %select_n3A_374 = arith.select %and3A_368, %broadcast_in_dim3A_373, %select_n3A_336 : vector<512x8xi1>, vector<512x8xf32>
    %swap3A = arith.constant 0 : index
    %swap3A_375 = arith.constant 0 : index
    %swap3A_376 = vector.load %arg10[%swap3A, %swap3A_375] : memref<512x8xf32, #tpu.memory_space<vmem>>, vector<512x8xf32>
    tpu.vector_store %arg10[%swap3A, %swap3A_375], %select_n3A_371 {strides = array<i32>} : memref<512x8xf32, #tpu.memory_space<vmem>>, vector<512x8xf32>,
    %swap3A_377 = arith.constant 0 : index
    %swap3A_378 = arith.constant 0 : index
    %swap3A_379 = vector.load %arg11[%swap3A_377, %swap3A_378] : memref<512x8xf32, #tpu.memory_space<vmem>>, vector<512x8xf32>
    tpu.vector_store %arg11[%swap3A_377, %swap3A_378], %select_n3A_374 {strides = array<i32>} : memref<512x8xf32, #tpu.memory_space<vmem>>, vector<512x8xf32>,
    %eq3A_380 = arith.constant 48 : i32
    %eq3A_381 = arith.cmpi eq, %arg0, %eq3A_380 : i32
    %convert_element_type3A_382 = arith.extui %eq3A_381 : i1 to i32
    %cond3A_383 = arith.constant 0 : i32
    %cond3A_384 = arith.cmpi ne, %convert_element_type3A_382, %cond3A_383 : i32
    scf.if %cond3A_384 {
      %swap3A_385 = arith.constant 0 : index
      %swap3A_386 = arith.constant 0 : index
      %swap3A_387 = vector.load %arg7[%swap3A_385, %swap3A_386] : memref<512x8xf32, #tpu.memory_space<vmem>>, vector<512x8xf32>
      tpu.vector_store %arg7[%swap3A_385, %swap3A_386], %select_n3A_371 {strides = array<i32>} : memref<512x8xf32, #tpu.memory_space<vmem>>, vector<512x8xf32>,
      %swap3A_388 = arith.constant 0 : index
      %swap3A_389 = arith.constant 0 : index
      %swap3A_390 = vector.load %arg8[%swap3A_388, %swap3A_389] : memref<512x8xf32, #tpu.memory_space<vmem>>, vector<512x8xf32>
      tpu.vector_store %arg8[%swap3A_388, %swap3A_389], %select_n3A_374 {strides = array<i32>} : memref<512x8xf32, #tpu.memory_space<vmem>>, vector<512x8xf32>,
    } else {
    }
    return
  }
  func.func @transform_0(%arg0: i32) -> (i32, i32) {
    %c0_i32 = arith.constant 0 : i32
    %c0_i32_0 = arith.constant 0 : i32
    %c0_i32_1 = arith.constant 0 : i32
    return %c0_i32, %c0_i32_0 : i32, i32
  }
  func.func @transform_1(%arg0: i32) -> (i32, i32) {
    %c0_i32 = arith.constant 0 : i32
    %c0_i32_0 = arith.constant 0 : i32
    %c0_i32_1 = arith.constant 0 : i32
    return %c0_i32, %c0_i32_0 : i32, i32
  }
  func.func @transform_2(%arg0: i32) -> (i32, i32) {
    %c0_i32 = arith.constant 0 : i32
    %c0_i32_0 = arith.constant 0 : i32
    %c0_i32_1 = arith.constant 0 : i32
    return %c0_i32, %c0_i32_0 : i32, i32
  }
  func.func @transform_3(%arg0: i32) -> (i32, i32) {
    %c0_i32 = arith.constant 0 : i32
    %c0_i32_0 = arith.constant 0 : i32
    %c0_i32_1 = arith.constant 0 : i32
    return %c0_i32, %c0_i32_0 : i32, i32
  }
  func.func @transform_4(%arg0: i32) -> (i32, i32) {
    %c0_i32 = arith.constant 0 : i32
    %c0_i32_0 = arith.constant 0 : i32
    %c0_i32_1 = arith.constant 0 : i32
    return %c0_i32, %c0_i32_0 : i32, i32
  }
  func.func @transform_5(%arg0: i32) -> (i32, i32) {
    %c0_i32 = arith.constant 0 : i32
    %c0_i32_0 = arith.constant 0 : i32
    return %c0_i32, %arg0 : i32, i32
  }
  func.func @transform_6(%arg0: i32) -> (i32, i32) {
    %c0_i32 = arith.constant 0 : i32
    %c0_i32_0 = arith.constant 0 : i32
    %c0_i32_1 = arith.constant 0 : i32
    return %c0_i32, %c0_i32_0 : i32, i32
  }
  func.func @transform_7(%arg0: i32) -> (i32, i32) {
    %c0_i32 = arith.constant 0 : i32
    %c0_i32_0 = arith.constant 0 : i32
    %c0_i32_1 = arith.constant 0 : i32
    return %c0_i32, %c0_i32_0 : i32, i32
  }
}

module attributes {stable_mosaic.version = 14 : i64} {
  func.func @_refine_kernel(%arg0: i32, %arg1: memref<1x64x64xf32, #tpu.memory_space<vmem>>, %arg2: memref<1x64x8xf32, #tpu.memory_space<vmem>>, %arg3: memref<1x64x8x64xf32, #tpu.memory_space<vmem>>, %arg4: memref<1x64x64xf32, #tpu.memory_space<vmem>>) attributes {dimension_semantics = [#tpu.dimension_semantics<arbitrary>], iteration_bounds = array<i64: 8>, scalar_prefetch = 0 : i64, scratch_operands = 0 : i64, tpu.core_type = #tpu.core_type<tc>, window_params = [{transform_indices = @transform_0, window_bounds = array<i64: 1, 64, 64>}, {transform_indices = @transform_1, window_bounds = array<i64: 1, 64, 8>}, {transform_indices = @transform_2, window_bounds = array<i64: 1, 64, 8, 64>}, {transform_indices = @transform_3, window_bounds = array<i64: 1, 64, 64>}]} {
    %get3A = arith.constant 0 : index
    %get3A_0 = arith.constant 0 : index
    %get3A_1 = arith.constant 0 : index
    %get3A_2 = vector.load %arg2[%get3A, %get3A_0, %get3A_1] : memref<1x64x8xf32, #tpu.memory_space<vmem>>, vector<1x64x8xf32>
    %get3A_3 = vector.shape_cast %get3A_2 : vector<1x64x8xf32> to vector<64x8xf32>
    %get3A_4 = arith.constant 0 : index
    %get3A_5 = arith.constant 0 : index
    %get3A_6 = arith.constant 0 : index
    %get3A_7 = arith.constant 0 : index
    %get3A_8 = vector.load %arg3[%get3A_4, %get3A_5, %get3A_6, %get3A_7] : memref<1x64x8x64xf32, #tpu.memory_space<vmem>>, vector<1x64x8x64xf32>
    %get3A_9 = vector.shape_cast %get3A_8 : vector<1x64x8x64xf32> to vector<64x8x64xf32>
    %get3A_10 = arith.constant 0 : index
    %get3A_11 = arith.constant 0 : index
    %get3A_12 = arith.constant 0 : index
    %get3A_13 = vector.load %arg1[%get3A_10, %get3A_11, %get3A_12] : memref<1x64x64xf32, #tpu.memory_space<vmem>>, vector<1x64x64xf32>
    %get3A_14 = vector.shape_cast %get3A_13 : vector<1x64x64xf32> to vector<64x64xf32>
    %reduce_max3A = arith.constant dense<0xFF800000> : vector<64xf32>
    %reduce_max3A_15 = vector.multi_reduction <maximumf>, %get3A_3, %reduce_max3A [1] : vector<64x8xf32> to vector<64xf32>
    %broadcast_in_dim3A = vector.shape_cast %reduce_max3A_15 : vector<64xf32> to vector<64x1xf32>
    %sub3A = vector.broadcast %broadcast_in_dim3A : vector<64x1xf32> to vector<64x8xf32>
    %sub3A_16 = arith.subf %get3A_3, %sub3A : vector<64x8xf32>
    %exp3A = math.exp %sub3A_16 : vector<64x8xf32>
    %reduce_sum3A = arith.constant dense<0.000000e+00> : vector<64xf32>
    %reduce_sum3A_17 = vector.multi_reduction <add>, %exp3A, %reduce_sum3A [1] : vector<64x8xf32> to vector<64xf32>
    %broadcast_in_dim3A_18 = vector.shape_cast %reduce_sum3A_17 : vector<64xf32> to vector<64x1xf32>
    %div3A = vector.broadcast %broadcast_in_dim3A_18 : vector<64x1xf32> to vector<64x8xf32>
    %div3A_19 = arith.divf %exp3A, %div3A : vector<64x8xf32>
    %mul3A = arith.mulf %get3A_9, %get3A_9 : vector<64x8x64xf32>
    %reduce_sum3A_20 = arith.constant dense<0.000000e+00> : vector<64x8xf32>
    %reduce_sum3A_21 = vector.multi_reduction <add>, %mul3A, %reduce_sum3A_20 [2] : vector<64x8x64xf32> to vector<64x8xf32>
    %broadcast_in_dim3A_22 = vector.shape_cast %reduce_sum3A_21 : vector<64x8xf32> to vector<64x8x1xf32>
    %sqrt3A = math.sqrt %broadcast_in_dim3A_22 : vector<64x8x1xf32>
    %add3A = arith.constant 9.99999993E-9 : f32
    %add3A_23 = vector.broadcast %add3A : f32 to vector<64x8x1xf32>
    %add3A_24 = arith.addf %sqrt3A, %add3A_23 : vector<64x8x1xf32>
    %div3A_25 = vector.broadcast %add3A_24 : vector<64x8x1xf32> to vector<64x8x64xf32>
    %div3A_26 = arith.divf %get3A_9, %div3A_25 : vector<64x8x64xf32>
    %broadcast_in_dim3A_27 = vector.shape_cast %div3A_19 : vector<64x8xf32> to vector<64x8x1xf32>
    %mul3A_28 = vector.broadcast %broadcast_in_dim3A_27 : vector<64x8x1xf32> to vector<64x8x64xf32>
    %mul3A_29 = arith.mulf %mul3A_28, %div3A_26 : vector<64x8x64xf32>
    %reduce_sum3A_30 = arith.constant dense<0.000000e+00> : vector<64x64xf32>
    %reduce_sum3A_31 = vector.multi_reduction <add>, %mul3A_29, %reduce_sum3A_30 [1] : vector<64x8x64xf32> to vector<64x64xf32>
    %mul3A_32 = arith.mulf %reduce_sum3A_31, %reduce_sum3A_31 : vector<64x64xf32>
    %reduce_sum3A_33 = arith.constant dense<0.000000e+00> : vector<64xf32>
    %reduce_sum3A_34 = vector.multi_reduction <add>, %mul3A_32, %reduce_sum3A_33 [1] : vector<64x64xf32> to vector<64xf32>
    %broadcast_in_dim3A_35 = vector.shape_cast %reduce_sum3A_34 : vector<64xf32> to vector<64x1xf32>
    %sqrt3A_36 = math.sqrt %broadcast_in_dim3A_35 : vector<64x1xf32>
    %add3A_37 = arith.constant 9.99999993E-9 : f32
    %add3A_38 = vector.broadcast %add3A_37 : f32 to vector<64x1xf32>
    %add3A_39 = arith.addf %sqrt3A_36, %add3A_38 : vector<64x1xf32>
    %div3A_40 = vector.broadcast %add3A_39 : vector<64x1xf32> to vector<64x64xf32>
    %div3A_41 = arith.divf %reduce_sum3A_31, %div3A_40 : vector<64x64xf32>
    %dot_general3A = arith.constant dense<0.000000e+00> : vector<64x64xf32>
    %dot_general3A_42 = tpu.matmul %div3A_41, %div3A_41, %dot_general3A {dimension_numbers = #tpu.dot_dimension_numbers<[1], [1], [0], [0], [0, 0, 1, 0], [], []>, transpose_lhs_hint = false} : vector<64x64xf32>, vector<64x64xf32>, vector<64x64xf32> -> vector<64x64xf32>
    %mul3A_43 = arith.constant 0.699999988 : f32
    %mul3A_44 = vector.broadcast %mul3A_43 : f32 to vector<64x64xf32>
    %mul3A_45 = arith.mulf %mul3A_44, %get3A_14 : vector<64x64xf32>
    %gt3A = arith.constant 6.000000e-01 : f32
    %gt3A_46 = vector.broadcast %gt3A : f32 to vector<64x64xf32>
    %gt3A_47 = arith.cmpf ogt, %dot_general3A_42, %gt3A_46 : vector<64x64xf32>
    %jit3A = arith.constant 0.000000e+00 : f32
    %broadcast_in_dim3A_48 = vector.broadcast %jit3A : f32 to vector<64x64xf32>
    %select_n3A = arith.select %gt3A_47, %dot_general3A_42, %broadcast_in_dim3A_48 : vector<64x64xi1>, vector<64x64xf32>
    %mul3A_49 = arith.constant 3.000000e-01 : f32
    %mul3A_50 = vector.broadcast %mul3A_49 : f32 to vector<64x64xf32>
    %mul3A_51 = arith.mulf %mul3A_50, %select_n3A : vector<64x64xf32>
    %add3A_52 = arith.addf %mul3A_45, %mul3A_51 : vector<64x64xf32>
    %swap3A = arith.constant 0 : index
    %swap3A_53 = arith.constant 0 : index
    %swap3A_54 = arith.constant 0 : index
    %swap3A_55 = vector.load %arg4[%swap3A, %swap3A_53, %swap3A_54] : memref<1x64x64xf32, #tpu.memory_space<vmem>>, vector<1x64x64xf32>
    %swap3A_56 = vector.shape_cast %swap3A_55 : vector<1x64x64xf32> to vector<64x64xf32>
    %swap3A_57 = vector.shape_cast %add3A_52 : vector<64x64xf32> to vector<1x64x64xf32>
    tpu.vector_store %arg4[%swap3A, %swap3A_53, %swap3A_54], %swap3A_57 {strides = array<i32>} : memref<1x64x64xf32, #tpu.memory_space<vmem>>, vector<1x64x64xf32>,
    return
  }
  func.func @transform_0(%arg0: i32) -> (i32, i32, i32) {
    %c0_i32 = arith.constant 0 : i32
    %c0_i32_0 = arith.constant 0 : i32
    %c0_i32_1 = arith.constant 0 : i32
    return %arg0, %c0_i32, %c0_i32_0 : i32, i32, i32
  }
  func.func @transform_1(%arg0: i32) -> (i32, i32, i32) {
    %c0_i32 = arith.constant 0 : i32
    %c0_i32_0 = arith.constant 0 : i32
    %c0_i32_1 = arith.constant 0 : i32
    return %arg0, %c0_i32, %c0_i32_0 : i32, i32, i32
  }
  func.func @transform_2(%arg0: i32) -> (i32, i32, i32, i32) {
    %c0_i32 = arith.constant 0 : i32
    %c0_i32_0 = arith.constant 0 : i32
    %c0_i32_1 = arith.constant 0 : i32
    %c0_i32_2 = arith.constant 0 : i32
    return %arg0, %c0_i32, %c0_i32_0, %c0_i32_1 : i32, i32, i32, i32
  }
  func.func @transform_3(%arg0: i32) -> (i32, i32, i32) {
    %c0_i32 = arith.constant 0 : i32
    %c0_i32_0 = arith.constant 0 : i32
    %c0_i32_1 = arith.constant 0 : i32
    return %arg0, %c0_i32, %c0_i32_0 : i32, i32, i32
  }
}

</mosaic_0001>

<sc_bundles>
// kernel: kernel.5.cloned.1.call-start
scs
__scs_entry_jumppad:
0x0: {  	(pc) =	sbr.rel $0x88, $3  }
0x1: {  	(tag) =	ssettag $0x0;
	lr =	simm.s32 $0x1  }
0x2: {  	[smem:$0x3F9A] =	sst lr;
	_ =	strace $0xD0000000  }
0x3: {  	_ = 	snop  }
0x4: {  	_ = 	snop  }
0x5: {  	_ = 	snop  }
0x6: {  	_ = 	snop  }
0x7: {  	_ = 	snop  }
__scs_overlays_trampoline_lowered:
0x8: {  	[smem:$0x3FA9] =	sst s0  }
0x9: {  	[smem:$0x3FAA] =	sst s1  }
0xa: {  	[smem:$0x3FAB] =	sst s2  }
0xb: {  	[smem:$0x3FAC] =	sst s3  }
0xc: {  	[smem:$0x3FAD] =	sst s4  }
0xd: {  	[smem:$0x3FAE] =	sst s5  }
0xe: {  	[smem:$0x3FAF] =	sst s6  }
0xf: {  	[smem:$0x3FB0] =	sst s7  }
0x10: {  	[smem:$0x3FB1] =	sst s8  }
0x11: {  	[smem:$0x3FB2] =	sst s9;
	s0 =	simm.s32 @!p0 $0x0  }
0x12: {  	s1 =	sld [smem:$0x3F98];
	s0 =	simm.s32 @p0 $0x1  }
0x13: {  	[smem:$0x3FB3] =	sst s0;
	s0 =	simm.s32 @!p1 $0x0  }
0x14: {  	s2 =	sld [smem:$0x3F97];
	s0 =	simm.s32 @p1 $0x1  }
0x15: {  	[smem:$0x3FB4] =	sst s0;
	s0 =	simm.s32 @!p2 $0x0  }
0x16: {  	s3 =	sld [smem:$0x3FDB];
	s0 =	simm.s32 @p2 $0x1  }
0x17: {  	s4 =	simm.s32 $0x1BF5;
	[smem:$0x3FB6] =	sst s0  }
0x18: {  	s0 =	sld [smem:$0x3F99];
	_ =	swait.ge [sflag:s4], $0x0  }
0x19: {  	s7 =	sld [smem:$0x3F9A]  }
0x1a: {  	s8 =	sadd.s32 $0xFFFFE003, lr  }
0x1b: {  	s9 =	sadd.s32 $0xFFFFFEF7, lr;
	s5 =	simm.s32 $0xFFFFFFFF;
	p2 =	slt.u32 s8, $0xFFFFF086  }
0x1c: {  	p1 =	slt.u32 s9, $0xF7A;
	s5 =	simm.s32 @!p2 $0x0  }
0x1d: {  	s5 =	simm.s32 @p1 $0x1;
	p0 =	seq.s32 s7, s2  }
0x1e: {  	s7 =	smul.u32 @!p0 $0xF7A, s2;
	p2 =	seq.s32 @!p0 s5, $0x0  }
0x1f: {  	s9 =	smul.u32 $0xF7A, s1;
	s8 =	simm.s32 @!p0 $0x1BF5;
	p2 =	por !p2, p0  }
0x20: {  	[sflag:s8] =	ssyncset.s32 @!p0 $0xFFFFF086;
	s6 =	sadd.s32 @!p0 s3, s7;
	s7 =	simm.s32 @!p0 $0x108  }
0x21: {  	s3 =	sadd.s32 s3, s9;
	s6 =	sadd.s32 @!p0 $0x88, s6;
	s7 =	simm.s32 @p2 $0x1082  }
0x22: {  	[simem:s7], [sflag:s8] =	dma.local @!p0 [hbm:s6], $0xF7A  }
0x23: {  	s9 =	sor.u32 $0xD0000000, s2;
	s6 =	simm.s32 $0x108;
	_ =	swait.ge @!p0 [sflag:s8], $0x0  }
0x24: {  	s3 =	sadd.s32 $0x88, s3;
	s6 =	simm.s32 @!p1 $0x1082;
	[sflag:s4] =	ssyncset.s32 $0xFFFFF086  }
0x25: {  	[simem:s6], [sflag:s4] =	dma.local [hbm:s3], $0xF7A  }
0x26: {  	[smem:$0x3F9A] =	sst s1;
	(tag) =	ssettag s2;
	_ =	strace s9  }
0x27: {  	s1 =	sld [smem:$0x3FAA]  }
0x28: {  	s2 =	sld [smem:$0x3FAB]  }
0x29: {  	s4 =	sld [smem:$0x3FAD]  }
0x2a: {  	p0 =	seq.s32 s5, $0x0;
	s5 =	sld [smem:$0x3FAE]  }
0x2b: {  	s6 =	sld [smem:$0x3FAF]  }
0x2c: {  	s7 =	sld [smem:$0x3FB0]  }
0x2d: {  	s3 =	simm.s32 $0x108;
	s8 =	sld [smem:$0x3FB1]  }
0x2e: {  	s3 =	simm.s32 @!p0 $0x1082;
	s9 =	sld [smem:$0x3FB2]  }
0x2f: {  	lr =	sadd.s32 s0, s3;
	s0 =	sld [smem:$0x3FA9]  }
0x30: {  	s3 =	sld [smem:$0x3FAC]  }
0x31: {  	[smem:$0x3FB5] =	sst s10  }
0x32: {  	s10 =	sld [smem:$0x3FB3];
	_ =	sdelay $0x3  }
0x33: {  	p0 =	seq.s32 s10, $0x1;
	s10 =	sld [smem:$0x3FB5];
	_ =	sdelay $0x3  }
0x34: {  	[smem:$0x3FB5] =	sst s10  }
0x35: {  	s10 =	sld [smem:$0x3FB4];
	_ =	sdelay $0x3  }
0x36: {  	p1 =	seq.s32 s10, $0x1;
	s10 =	sld [smem:$0x3FB5];
	_ =	sdelay $0x3  }
0x37: {  	[smem:$0x3FB5] =	sst s10  }
0x38: {  	s10 =	sld [smem:$0x3FB6]  }
0x39: {  	_ = 	snop;
	(pc) =	sbr.ind lr, $3  }
0x3a: {  	_ = 	snop  }
0x3b: {  	_ = 	snop  }
0x3c: {  	p2 =	seq.s32 s10, $0x1;
	s10 =	sld [smem:$0x3FB5]  }
0x3d: {  	_ =	shalt  }
0x3e: {  	_ =	shalt  }
0x3f: {  	_ =	shalt  }
0x40: {  	_ =	shalt  }
0x41: {  	_ =	shalt  }
0x42: {  	_ =	shalt  }
0x43: {  	_ =	shalt  }
0x44: {  	_ =	shalt  }
0x45: {  	_ =	shalt  }
0x46: {  	_ =	shalt  }
0x47: {  	_ =	shalt  }
0x48: {  	_ =	shalt  }
0x49: {  	_ =	shalt  }
0x4a: {  	_ =	shalt  }
0x4b: {  	_ =	shalt  }
0x4c: {  	_ =	shalt  }
0x4d: {  	_ =	shalt  }
0x4e: {  	_ =	shalt  }
0x4f: {  	_ =	shalt  }
0x50: {  	_ =	shalt  }
0x51: {  	_ =	shalt  }
0x52: {  	_ =	shalt  }
0x53: {  	_ =	shalt  }
0x54: {  	_ =	shalt  }
0x55: {  	_ =	shalt  }
0x56: {  	_ =	shalt  }
0x57: {  	_ =	shalt  }
0x58: {  	_ =	shalt  }
0x59: {  	_ =	shalt  }
0x5a: {  	_ =	shalt  }
0x5b: {  	_ =	shalt  }
0x5c: {  	_ =	shalt  }
0x5d: {  	_ =	shalt  }
0x5e: {  	_ =	shalt  }
0x5f: {  	_ =	shalt  }
0x60: {  	_ =	shalt  }
0x61: {  	_ =	shalt  }
0x62: {  	_ =	shalt  }
0x63: {  	_ =	shalt  }
0x64: {  	_ =	shalt  }
0x65: {  	_ =	shalt  }
0x66: {  	_ =	shalt  }
0x67: {  	_ =	shalt  }
0x68: {  	_ =	shalt  }
0x69: {  	_ =	shalt  }
0x6a: {  	_ =	shalt  }
0x6b: {  	_ =	shalt  }
0x6c: {  	_ =	shalt  }
0x6d: {  	_ =	shalt  }
0x6e: {  	_ =	shalt  }
0x6f: {  	_ =	shalt  }
0x70: {  	_ =	shalt  }
0x71: {  	_ =	shalt  }
0x72: {  	_ =	shalt  }
0x73: {  	_ =	shalt  }
0x74: {  	_ =	shalt  }
0x75: {  	_ =	shalt  }
0x76: {  	_ =	shalt  }
0x77: {  	_ =	shalt  }
0x78: {  	_ =	shalt  }
0x79: {  	_ =	shalt  }
0x7a: {  	_ =	shalt  }
0x7b: {  	_ =	shalt  }
0x7c: {  	_ =	shalt  }
0x7d: {  	_ =	shalt  }
0x7e: {  	_ =	shalt  }
0x7f: {  	_ =	shalt  }
0x80: {  	_ =	shalt  }
0x81: {  	_ =	shalt  }
0x82: {  	_ =	shalt  }
0x83: {  	_ =	shalt  }
0x84: {  	_ =	shalt  }
0x85: {  	_ =	shalt  }
0x86: {  	_ =	shalt  }
0x87: {  	_ =	shalt  }
.Lfunc_end0:
.L_simem_size_0:
called_computation_lowered:
.L_overlay_start_0:
0x88: {  	s2 =	sld [smem:$0x3FD9]  }
0x89: {  	s3 =	sld [smem:$0x3FFE];
	_ =	sdelay $0x1  }
0x8a: {  	s1 =	srdreg.scid  }
0x8b: {  	s0 =	sand.u32 $0x1, s1  }
0x8c: {  	s17 =	sshll.u32 s0, $0xA;
	s2 =	sadd.s32 s3, s2  }
0x8d: {  	s2 =	sadd.s32 s2, s17  }
0x8e: {  	[smem:$0x3FC1] =	sst s2  }
0x8f: {  	_ = 	snop  }
0x90: {  	s2 =	sld [smem:$0x3FD0];
	(tm) =	ssettm $0x1  }
0x91: {  	s18 =	sld [smem:$0x3FFB];
	_ =	sdelay $0x3  }
0x92: {  	_ =	strace s18  }
0x93: {  	s3 =	sld [smem:$0x3FFC];
	_ =	sdelay $0x3  }
0x94: {  	_ =	strace s3  }
0x95: {  	s3 =	sld [smem:$0x3FFD];
	_ =	sdelay $0x3  }
0x96: {  	_ =	strace s3  }
0x97: {  	_ =	strace $0x8FFFFFFF  }
0x98: {  	s19 =	sld [smem:$0x3FDB];
	_ =	sdelay $0x1  }
0x99: {  	s4 =	simm.s32 $_scs_section_size  }
0x9a: {  	s5 =	simm.s32 $_size__tile_overlayer_lowered;
	s6 =	simm.s32 $_tile_overlayer_lowered  }
0x9b: {  	s22 =	simm.s32 $0x1BFF;
	s21 =	sshll.u32 s6, $0x1;
	s3 =	sadd.s32 s4, s19  }
0x9c: {  	s7 =	simm.s32 $0x0;
	s20 =	sshll.u32 s5, $0x1;
	s5 =	sadd.s32 s21, s3  }
0x9d: {  	[timem:s7], [sflag:s22] =	dma.local [hbm:s5], s20  }
0x9e: {  	_ =	swait.ge [sflag:s22], s20  }
0x9f: {  	s4 =	ssub.s32 $0x0, s20;
	[sflag:s22] =	ssyncset.done $0x0  }
0xa0: {  	[sflag:s22] =	ssyncadd.s32 s4;
	_ =	sdelay $0x1  }
0xa1: {  	s23 =	simm.s32 $0x1B8B  }
0xa2: {  	_ =	swait.ge [sflag:s23], $0x1  }
0xa3: {  	[sflag:s23] =	ssyncset.done $0x0  }
0xa4: {  	s25 =	simm.s32 $0x1B8E;
	s24 =	sld [smem:$0x3FFE];
	[sflag:s23] =	ssyncadd.s32 $0xFFFFFFFF  }
0xa5: {  	s26 =	simm.s32 $execute0_lowered;
	[smem:$0x3FD2] =	sst s25  }
0xa6: {  	s5 =	sshll.u32 s26, $0x1;
	_ =	strace $0x80000046;
	[dreg:$0x1] =	wrdreg $0xFFFFFFFF  }
0xa7: {  	s28 =	simm.s32 $_size_execute0_lowered;
	s3 =	sadd.s32 s3, s5;
	[dreg:$0x0] =	wrdreg $0x0  }
0xa8: {  	s5 =	sshll.u32 s28, $0x1;
	[dreg:$0x2] =	wrdreg s3  }
0xa9: {  	[dreg:$0x3] =	wrdreg s5  }
0xaa: {  	[dreg:$0x4] =	wrdreg $0xC0  }
0xab: {  	_ =	task [dreg:s7], $0x5FFFF  }
0xac: {  	[dreg:$0x1] =	wrdreg $0xFFFFFFFF  }
0xad: {  	[dreg:$0x0] =	wrdreg $0x60  }
0xae: {  	[dreg:$0x2] =	wrdreg s24  }
0xaf: {  	[dreg:$0x3] =	wrdreg s2  }
0xb0: {  	[dreg:$0x4] =	wrdreg $0x9  }
0xb1: {  	_ =	task.clear_ibuf [dreg:s7], $0x5FFFF;
	_ =	strace $0x90000046  }
0xb2: {  	s29 =	simm.s32 $0x9;
	_ =	strace $0x80000048  }
0xb3: {  	_ =	swait.ge [sflag:s29], $0x1  }
0xb4: {  	[sflag:s29] =	ssyncadd.s32 $0xFFFFFFFF  }
0xb5: {  	_ =	strace $0x90000048  }
0xb6: {  	_ =	sfence  }
0xb7: {  	s30 =	sld [smem:$0x0];
	_ =	sdelay $0x2  }
0xb8: {  	s31 =	sshll.u32 s1, $0xD;
	s1 =	sshrl.u32 s1, $0x2  }
0xb9: {  	s3 =	sand.u32 $0x4000, s31;
	s1 =	sadd.s32 s1, s30  }
0xba: {  	s0 =	sor.u32 s3, s0;
	s1 =	sshll.u32 s1, $0x11  }
0xbb: {  	s0 =	sor.u32 s1, s0  }
0xbc: {  	s0 =	sadd.s32 $0x8F2B, s0  }
0xbd: {  	[sflag:s0] =	ssyncadd.remote.s32 $0x1  }
0xbe: {  	_ =	sfence.sel $0xFFFF  }
0xbf: {  	[dreg:$0x0] =	wrdreg $0xFFFFFFFF;
	(pc) =	sbr.abs _section_cstart, $3  }
0xc0: {  	[dreg:$0x1] =	wrdreg $0xFFFFFFFF  }
0xc1: {  	_ =	task.clear_ibuf [dreg:s7], $0x2FFFF;
	_ =	strace $0x9FFFFFFF  }
0xc2: {  	(tm) =	ssettm $0x7FFFFFFF  }
0xc3: {  	_ =	shalt  }
tec
execute0_lowered:
.L_overlay_start_1:
0x0: {  	(tag) =	ssettag $0x1  }
0x1: {  	s1 =	srdreg.scid  }
0x2: {  	s8 =	rddreg [dreg:$0x0];
	s0 =	stileid.u32  }
0x3: {  	s3 =	rddreg [dreg:$0x1];
	s2 =	simm.s32 $0x0;
	s6 =	sand.u32 $0x1, s1  }
0x4: {  	s4 =	sshll.u32 s0, $0x8;
	s1 =	rddreg [dreg:$0x2];
	s5 =	sshll.u32 s6, $0x7  }
0x5: {  	s7 =	simm.s32 $0x1;
	[smem:$0x7FF] =	sst s2;
	s9 =	sor.u32 s5, s4  }
0x6: {  	_ =	strace $0x80000047;
	s10 =	ssub.s32 $0x2, s6;
	s4 =	sshrl.u32 s9, $0x3  }
0x7: {  	s6 =	simm.s32 $0x80;
	s4 =	sadd.s32 s3, s4;
	s3 =	simm.s32 $0x2  }
0x8: {  	[tilespmem:s2], [sflag:$0x2] =	stream.linear.gather [hbm4b:s4+s2], $0x80, $0x38;
	[tilespmem:$0x2080] =	vst v63  }
0x9: {  	s5 =	sadd.s32 $0x187C00, s8;
	s11 =	sshrl.u32 s10, $0x1;
	_ =	swait.ge [sflag:s3], $0x80  }
0xa: {  	s9 =	sshll.u32 s9, $0x3;
	s31 =	ssub.s32 s10, s11;
	[sflag:s3] =	ssyncset.done $0x0  }
0xb: {  	s8 =	sadd.s32 s9, s8;
	s9 =	smax.u32 s31, $0x1;
	[sflag:s3] =	ssyncadd.s32 $0xFFFFFF80  }
0xc: {  	[tilespmem:s6], [sflag:$0x1] =	stream.indirect.gather [hbm4b:s5+s6], $0x40, s2, s6, $0xb8;
	[tilespmem:$0x2080] =	vst v63  }
0xd: {  	p0 =	sne.s32 s9, $0x1;
	_ =	swait.ge [sflag:s7], $0x2000  }
.Ltmp0:
0xe: {  	[sflag:s7] =	ssyncset.done $0x0;
	(pc) =	sbr.rel @!p0 .LBB2_2-.Ltmp0, $4  }
0xf: {  	s8 =	sadd.s32 $0x1200, s8;
	[sflag:s7] =	ssyncadd.s32 $0xFFFFE000  }
0x10: {  	[hbm4b:s8+s2] =	stream.linear.scatter [tilespmem:s6], [sflag:$0x2], $0x2000, $0x38;
	[tilespmem:$0x2080] =	vst v63  }
0x11: {  	_ =	swait.ge [sflag:s3], $0x2000  }
0x12: {  	s9 =	sadd.s32 $0xFFFFFFFF, s9;
	[sflag:s3] =	ssyncset.done $0x0  }
.LBB2_1:
0x13: {  	p0 =	sne.s32 s9, $0x1;
	s9 =	sadd.s32 $0xFFFFFFFF, s9;
	[sflag:s3] =	ssyncadd.s32 $0xFFFFE000  }
0x14: {  	[tilespmem:s2], [sflag:$0x2] =	stream.linear.gather [hbm4b:s4+s2], $0x80, $0x38;
	[tilespmem:$0x2080] =	vst v63  }
0x15: {  	_ =	swait.ge [sflag:s3], $0x80  }
0x16: {  	[sflag:s3] =	ssyncset.done $0x0  }
0x17: {  	[sflag:s3] =	ssyncadd.s32 $0xFFFFFF80  }
0x18: {  	[tilespmem:s6], [sflag:$0x1] =	stream.indirect.gather [hbm4b:s5+s6], $0x40, s2, s6, $0xb8;
	[tilespmem:$0x2080] =	vst v63  }
0x19: {  	_ =	swait.ge [sflag:s7], $0x2000  }
.Ltmp1:
0x1a: {  	[sflag:s7] =	ssyncset.done $0x0;
	(pc) =	sbr.rel @p0 .LBB2_1-.Ltmp1, $4  }
0x1b: {  	[sflag:s7] =	ssyncadd.s32 $0xFFFFE000  }
0x1c: {  	[hbm4b:s8+s2] =	stream.linear.scatter [tilespmem:s6], [sflag:$0x2], $0x2000, $0x38;
	[tilespmem:$0x2080] =	vst v63  }
0x1d: {  	_ =	swait.ge [sflag:s3], $0x2000  }
0x1e: {  	[sflag:s3] =	ssyncset.done $0x0  }
.LBB2_2:
0x1f: {  	[sflag:s3] =	ssyncadd.s32 $0xFFFFE000  }
0x20: {  	_ =	sfence.sel $0x180000  }
0x21: {  	[bflag:$0x0] =	sbarrier.arrive $0xFFFF  }
0x22: {  	p0 =	sne.s32 s0, $0x0;
	_ =	strace $0x90000047  }
0x23: {  	s0 =	sadd.s32 @!p0 $0x100000, s1;
	[bflag:$0x2] =	sbarrier.arrive $0xFFFF  }
0x24: {  	[sflag:s0] =	ssyncadd.tile.s32 @!p0 $0x1;
	_ =	shalt  }
.Lfunc_end2:
_tile_overlayer_lowered:
.L_overlay_start_2:
0x25: {  	(tag) =	ssettag $0x2  }
0x26: {  	s0 =	rddreg [dreg:$0x0];
	s2 =	stileid.u32  }
0x27: {  	s1 =	rddreg [dreg:$0x1];
	p0 =	sne.s32 s2, $0x0  }
0x28: {  	s3 =	rddreg [dreg:$0x2];
	[bflag:$0x3] =	sbarrier.arrive $0xFFFF;
	s2 =	simm.s32 @!p0 $0x1C02  }
0x29: {  	[timem:s3], [sflag:s2] =	dma.local @!p0 [hbm:s0], s1  }
0x2a: {  	s0 =	simm.s32 @!p0 $0x2  }
0x2b: {  	_ =	swait.ge @!p0 [sflag:s0], s1  }
0x2c: {  	s1 =	ssub.s32 @!p0 $0x0, s1;
	[sflag:s0] =	ssyncset.done @!p0 $0x0  }
0x2d: {  	[sflag:s0] =	ssyncadd.s32 @!p0 s1  }
0x2e: {  	[bflag:$0x3] =	sbarrier.arrive $0xFFFF  }
0x2f: {  	_ =	shalt  }

</sc_bundles>
